<compile_context>
chip_gen: v7x
topology: tpu7x:2x2x1
jax: 0.10.2.dev20260603
libtpu: 0.0.44.dev20260713+nightly
codegen_flags: <defaults>
</compile_context>

<pallas_src>
import functools

import jax
import jax.numpy as jnp
from jax import lax
from jax.experimental import pallas as pl
from jax.experimental.pallas import tpu as pltpu
from jax.experimental.pallas import tpu_sc as plsc

T = 16
K = 8
RPS = 2048
NC, NS = 2, 16
NW = NC * NS
QW = NW // K
RPW = RPS // QW
BLK = 16
NBUF = 3
HALF = RPW // 2
NITH = HALF // BLK

_mesh = plsc.VectorSubcoreMesh(core_axis_name="c", subcore_axis_name="s")


@functools.partial(
    pl.kernel,
    out_type=jax.ShapeDtypeStruct((K * RPS, 8, 128), jnp.float32),
    mesh=_mesh,
    scratch_types=[
        pltpu.VMEM((32,), jnp.int32),
        pltpu.VMEM((NBUF, BLK, 8, 128), jnp.float32),
        pltpu.VMEM_SHARED((NS, NBUF, BLK, 8, 128), jnp.float32),
        pltpu.SemaphoreType.DMA((NBUF,)),
        pltpu.SemaphoreType.DMA((NBUF,)),
        pltpu.SemaphoreType.DMA((NBUF,)),
        pltpu.SemaphoreType.DMA((NBUF,)),
    ],
)
def _subsample(in_hbm, idx_hbm, out_hbm, idx_v, tbuf, sbuf,
               ga, sa, gb, sb):
    sid = lax.axis_index("s")
    wid = sid * NC + lax.axis_index("c")
    t = wid // QW
    sub = wid % QW
    pltpu.sync_copy(idx_hbm, idx_v)
    src_t = idx_v[pl.ds(t, 16)][0]
    src0 = src_t * RPS + sub * RPW
    dst0 = t * RPS + sub * RPW

    def make_path(buf, gsem, ssem, off):
        def start_gather(i, b):
            pltpu.async_copy(
                in_hbm.at[pl.ds(src0 + off + i * BLK, BLK)],
                buf.at[b], gsem.at[b],
            )

        def start_store(i, b):
            pltpu.async_copy(
                buf.at[b],
                out_hbm.at[pl.ds(dst0 + off + i * BLK, BLK)],
                ssem.at[b],
            )

        def wait_gather(b):
            pltpu.make_async_copy(
                in_hbm.at[pl.ds(src0, BLK)], buf.at[b], gsem.at[b]
            ).wait()

        def wait_store(b):
            pltpu.make_async_copy(
                buf.at[b], out_hbm.at[pl.ds(dst0, BLK)], ssem.at[b]
            ).wait()

        return start_gather, start_store, wait_gather, wait_store

    paths = (
        make_path(sbuf.at[sid], ga, sa, 0),
        make_path(tbuf, gb, sb, HALF),
    )

    for b in range(NBUF - 1):
        for sg, _, _, _ in paths:
            sg(b, b)

    @pl.loop(0, NITH)
    def _(i):
        b = lax.rem(i, NBUF)
        nb = lax.rem(i + NBUF - 1, NBUF)

        for sg, ss, wg, ws in paths:
            @pl.when(i + NBUF - 1 < NITH)
            def _():
                @pl.when(i >= 1)
                def _():
                    ws(nb)

                sg(i + NBUF - 1, nb)

            wg(b)
            ss(i, b)

    for b in range(NBUF):
        for _, _, _, ws in paths:
            ws(b)


def kernel(named_tensor, idx_to_keep):
    x = (
        named_tensor.reshape(T, 512, 4, 128, 8)
        .transpose(0, 1, 2, 4, 3)
        .reshape(T * RPS, 8, 128)
    )
    idx4 = jnp.tile(idx_to_keep.astype(jnp.int32), 4)
    out = _subsample(x, idx4)
    return (
        out.reshape(K, 512, 4, 8, 128)
        .transpose(0, 1, 2, 4, 3)
        .reshape(K, 512, 512, 8)
    )

# --- scband reference (transcript-rebuilt; emitter-appended) ---
"""Pipeline reference for scband-dimension-sub-sampler-35450660061637 (READ-ONLY COPY).

The authoritative reference and input builder live on the scoring server;
editing this copy changes nothing except your own understanding.
"""

import jax, jax.numpy as jnp
import numpy as np

DIM_AXIS = 0  # 'timesteps' is axis 0 of names ['timesteps', 'lat', 'lon', 'features']


def setup_inputs(seed: int = 0) -> dict:
    key = jax.random.key(seed)
    k1, = jax.random.split(key, 1)
    named_tensor = jax.random.normal(k1, (16, 512, 512, 8), dtype=jnp.float32)
    idx_to_keep = jnp.array([0, 2, 4, 6, 8, 10, 12, 14], dtype=jnp.int32)
    return {"named_tensor": named_tensor, "idx_to_keep": idx_to_keep}


def reference(named_tensor, idx_to_keep):
    # NamedTensor.index_select_dim('timesteps', idx_to_keep) ==
    # torch.index_select(tensor, dim=0, index=idx_to_keep)
    return jnp.take(named_tensor, idx_to_keep, axis=DIM_AXIS)

if __name__ == "__main__":
    import jax
    _d = setup_inputs()
    print(jax.jit(kernel)(*tuple(_d.values())))

</pallas_src>

<mosaic_0001>
#map = affine_map<(d0, d1) -> (0, 0, 0)>
#map1 = affine_map<(d0, d1) -> (0)>
module attributes {stable_mosaic.version = 14 : i64} {
  func.func @_subsample(%arg0: i32, %arg1: i32, %arg2: memref<32768x8x128xf32, #tpu.memory_space<hbm>>, %arg3: memref<32xi32, #tpu.memory_space<hbm>>, %arg4: memref<16384x8x128xf32, #tpu.memory_space<hbm>>, %arg5: memref<32xi32, #tpu.memory_space<vmem>>, %arg6: memref<3x16x8x128xf32, #tpu.memory_space<vmem>>, %arg7: memref<16x3x16x8x128xf32, #tpu.memory_space<vmem_shared>>, %arg8: memref<3x!tpu.dma_semaphore, #tpu.memory_space<semaphore_mem>>, %arg9: memref<3x!tpu.dma_semaphore, #tpu.memory_space<semaphore_mem>>, %arg10: memref<3x!tpu.dma_semaphore, #tpu.memory_space<semaphore_mem>>, %arg11: memref<3x!tpu.dma_semaphore, #tpu.memory_space<semaphore_mem>>) attributes {dimension_semantics = [#tpu.dimension_semantics<core_parallel>, #tpu.dimension_semantics<subcore_parallel>], iteration_bounds = array<i64: 2, 16>, scalar_prefetch = 0 : i64, scratch_operands = 7 : i64, tpu.core_type = #tpu.core_type<sc_vector_subcore>, window_params = [{transform_indices = #map}, {transform_indices = #map1}, {transform_indices = #map}]} {
    %mul3A = arith.constant 2 : i32
    %mul3A_0 = arith.muli %arg1, %mul3A : i32
    %add3A = arith.addi %mul3A_0, %arg0 : i32
    %jit3A = arith.constant 4 : i32
    %div3A = arith.divsi %add3A, %jit3A : i32
    %sign3A = arith.constant 0 : i32
    %sign3A_1 = arith.cmpi sgt, %add3A, %sign3A : i32
    %sign3A_2 = arith.extui %sign3A_1 : i1 to i32
    %sign3A_3 = arith.constant 0 : i32
    %sign3A_4 = arith.cmpi slt, %add3A, %sign3A_3 : i32
    %sign3A_5 = arith.extui %sign3A_4 : i1 to i32
    %sign3A_6 = arith.subi %sign3A_2, %sign3A_5 : i32
    %sign3A_7 = arith.constant 0 : i32
    %sign3A_8 = arith.cmpi sgt, %jit3A, %sign3A_7 : i32
    %sign3A_9 = arith.extui %sign3A_8 : i1 to i32
    %sign3A_10 = arith.constant 0 : i32
    %sign3A_11 = arith.cmpi slt, %jit3A, %sign3A_10 : i32
    %sign3A_12 = arith.extui %sign3A_11 : i1 to i32
    %sign3A_13 = arith.subi %sign3A_9, %sign3A_12 : i32
    %ne3A = arith.cmpi ne, %sign3A_6, %sign3A_13 : i32
    %rem3A = arith.remsi %add3A, %jit3A : i32
    %ne3A_14 = arith.constant 0 : i32
    %ne3A_15 = arith.cmpi ne, %rem3A, %ne3A_14 : i32
    %and3A = arith.andi %ne3A, %ne3A_15 : i1
    %sub3A = arith.constant 1 : i32
    %sub3A_16 = arith.subi %div3A, %sub3A : i32
    %select_n3A = arith.select %and3A, %sub3A_16, %div3A : i32
    %jit3A_17 = arith.constant 4 : i32
    %eq3A = arith.constant 0 : i32
    %eq3A_18 = arith.cmpi eq, %jit3A_17, %eq3A : i32
    %jit3A_19 = arith.constant 1 : i32
    %select_n3A_20 = arith.select %eq3A_18, %jit3A_19, %jit3A_17 : i32
    %rem3A_21 = arith.remsi %add3A, %select_n3A_20 : i32
    %ne3A_22 = arith.constant 0 : i32
    %ne3A_23 = arith.cmpi ne, %rem3A_21, %ne3A_22 : i32
    %lt3A = arith.constant 0 : i32
    %lt3A_24 = arith.cmpi slt, %rem3A_21, %lt3A : i32
    %lt3A_25 = arith.constant 0 : i32
    %lt3A_26 = arith.cmpi slt, %select_n3A_20, %lt3A_25 : i32
    %ne3A_27 = arith.xori %lt3A_24, %lt3A_26 : i1
    %and3A_28 = arith.andi %ne3A_27, %ne3A_23 : i1
    %add3A_29 = arith.addi %rem3A_21, %select_n3A_20 : i32
    %select_n3A_30 = arith.select %and3A_28, %add3A_29, %rem3A_21 : i32
    "tpu.region"() ({
      %run_scoped3A = tpu.sem_alloc : memref<!tpu.dma_semaphore, #tpu.memory_space<semaphore_mem>>
      tpu.enqueue_dma source(%arg3 : memref<32xi32, #tpu.memory_space<hbm>>) target(%arg5 : memref<32xi32, #tpu.memory_space<vmem>>) target_semaphore(%run_scoped3A : memref<!tpu.dma_semaphore, #tpu.memory_space<semaphore_mem>>)
      tpu.wait_dma2 semaphore(%run_scoped3A : memref<!tpu.dma_semaphore, #tpu.memory_space<semaphore_mem>>) src(%arg3 : memref<32xi32, #tpu.memory_space<hbm>>) dst(%arg5 : memref<32xi32, #tpu.memory_space<vmem>>)
      tpu.yield
    }) : () -> ()
    %get3A = arith.index_cast %select_n3A : i32 to index
    %get3A_31 = tpu.vector_load %arg5[%get3A] {strides = array<i32>} : memref<32xi32, #tpu.memory_space<vmem>>, vector<16xi32>,
    %get3A_32 = vector.shape_cast %get3A_31 : vector<16xi32> to vector<16xi32>
    %slice3A = vector.extract_strided_slice %get3A_32 {offsets = [0], sizes = [1], strides = [1]} : vector<16xi32> to vector<1xi32>
    %squeeze3A = vector.extract %slice3A[0] : i32 from vector<1xi32>
    %mul3A_33 = arith.constant 2048 : i32
    %mul3A_34 = arith.muli %squeeze3A, %mul3A_33 : i32
    %mul3A_35 = arith.constant 512 : i32
    %mul3A_36 = arith.muli %select_n3A_30, %mul3A_35 : i32
    %add3A_37 = arith.addi %mul3A_34, %mul3A_36 : i32
    %mul3A_38 = arith.constant 2048 : i32
    %mul3A_39 = arith.muli %select_n3A, %mul3A_38 : i32
    %mul3A_40 = arith.constant 512 : i32
    %mul3A_41 = arith.muli %select_n3A_30, %mul3A_40 : i32
    %add3A_42 = arith.addi %mul3A_39, %mul3A_41 : i32
    %add3A_43 = arith.constant 0 : i32
    %add3A_44 = arith.addi %add3A_37, %add3A_43 : i32
    %add3A_45 = arith.constant 0 : i32
    %add3A_46 = arith.addi %add3A_44, %add3A_45 : i32
    %dma_start3A = arith.constant 0 : i32
    %dma_start3A_47 = arith.constant 0 : i32
    %dma_start3A_48 = tpu.memref_slice %arg8[%dma_start3A_47] : memref<3x!tpu.dma_semaphore, #tpu.memory_space<semaphore_mem>> -> memref<1x!tpu.dma_semaphore, #tpu.memory_space<semaphore_mem>>
    %dma_start3A_49 = tpu.memref_squeeze %dma_start3A_48 : memref<1x!tpu.dma_semaphore, #tpu.memory_space<semaphore_mem>> -> memref<!tpu.dma_semaphore, #tpu.memory_space<semaphore_mem>>
    %dma_start3A_50 = arith.constant 0 : i32
    %dma_start3A_51 = arith.constant 0 : i32
    %dma_start3A_52 = arith.constant 0 : i32
    %dma_start3A_53 = arith.constant 0 : i32
    %dma_start3A_54 = tpu.memref_slice %arg7[%arg1, %dma_start3A_50, %dma_start3A_51, %dma_start3A_52, %dma_start3A_53] : memref<16x3x16x8x128xf32, #tpu.memory_space<vmem_shared>> -> memref<1x3x16x8x128xf32, #tpu.memory_space<vmem_shared>>
    %dma_start3A_55 = tpu.memref_squeeze %dma_start3A_54 : memref<1x3x16x8x128xf32, #tpu.memory_space<vmem_shared>> -> memref<3x16x8x128xf32, #tpu.memory_space<vmem_shared>>
    %dma_start3A_56 = arith.constant 0 : i32
    %dma_start3A_57 = arith.constant 0 : i32
    %dma_start3A_58 = arith.constant 0 : i32
    %dma_start3A_59 = tpu.memref_slice %dma_start3A_55[%dma_start3A, %dma_start3A_56, %dma_start3A_57, %dma_start3A_58] : memref<3x16x8x128xf32, #tpu.memory_space<vmem_shared>> -> memref<1x16x8x128xf32, #tpu.memory_space<vmem_shared>>
    %dma_start3A_60 = tpu.memref_squeeze %dma_start3A_59 : memref<1x16x8x128xf32, #tpu.memory_space<vmem_shared>> -> memref<16x8x128xf32, #tpu.memory_space<vmem_shared>>
    %dma_start3A_61 = arith.constant 0 : i32
    %dma_start3A_62 = arith.constant 0 : i32
    %dma_start3A_63 = tpu.memref_slice %arg2[%add3A_46, %dma_start3A_61, %dma_start3A_62] : memref<32768x8x128xf32, #tpu.memory_space<hbm>> -> memref<16x8x128xf32, #tpu.memory_space<hbm>>
    tpu.enqueue_dma source(%dma_start3A_63 : memref<16x8x128xf32, #tpu.memory_space<hbm>>) target(%dma_start3A_60 : memref<16x8x128xf32, #tpu.memory_space<vmem_shared>>) target_semaphore(%dma_start3A_49 : memref<!tpu.dma_semaphore, #tpu.memory_space<semaphore_mem>>)
    %add3A_64 = arith.constant 256 : i32
    %add3A_65 = arith.addi %add3A_37, %add3A_64 : i32
    %add3A_66 = arith.constant 0 : i32
    %add3A_67 = arith.addi %add3A_65, %add3A_66 : i32
    %dma_start3A_68 = arith.constant 0 : i32
    %dma_start3A_69 = arith.constant 0 : i32
    %dma_start3A_70 = arith.constant 0 : i32
    %dma_start3A_71 = arith.constant 0 : i32
    %dma_start3A_72 = arith.constant 0 : i32
    %dma_start3A_73 = tpu.memref_slice %arg6[%dma_start3A_68, %dma_start3A_70, %dma_start3A_71, %dma_start3A_72] : memref<3x16x8x128xf32, #tpu.memory_space<vmem>> -> memref<1x16x8x128xf32, #tpu.memory_space<vmem>>
    %dma_start3A_74 = tpu.memref_squeeze %dma_start3A_73 : memref<1x16x8x128xf32, #tpu.memory_space<vmem>> -> memref<16x8x128xf32, #tpu.memory_space<vmem>>
    %dma_start3A_75 = arith.constant 0 : i32
    %dma_start3A_76 = arith.constant 0 : i32
    %dma_start3A_77 = tpu.memref_slice %arg2[%add3A_67, %dma_start3A_75, %dma_start3A_76] : memref<32768x8x128xf32, #tpu.memory_space<hbm>> -> memref<16x8x128xf32, #tpu.memory_space<hbm>>
    %dma_start3A_78 = tpu.memref_slice %arg10[%dma_start3A_69] : memref<3x!tpu.dma_semaphore, #tpu.memory_space<semaphore_mem>> -> memref<1x!tpu.dma_semaphore, #tpu.memory_space<semaphore_mem>>
    %dma_start3A_79 = tpu.memref_squeeze %dma_start3A_78 : memref<1x!tpu.dma_semaphore, #tpu.memory_space<semaphore_mem>> -> memref<!tpu.dma_semaphore, #tpu.memory_space<semaphore_mem>>
    %dma_start3A_80 = arith.constant 0 : i32
    %dma_start3A_81 = arith.constant 0 : i32
    %dma_start3A_82 = arith.constant 0 : i32
    %dma_start3A_83 = tpu.memref_slice %arg6[%dma_start3A_68, %dma_start3A_80, %dma_start3A_81, %dma_start3A_82] : memref<3x16x8x128xf32, #tpu.memory_space<vmem>> -> memref<1x16x8x128xf32, #tpu.memory_space<vmem>>
    %dma_start3A_84 = tpu.memref_squeeze %dma_start3A_83 : memref<1x16x8x128xf32, #tpu.memory_space<vmem>> -> memref<16x8x128xf32, #tpu.memory_space<vmem>>
    %dma_start3A_85 = arith.constant 0 : i32
    %dma_start3A_86 = arith.constant 0 : i32
    %dma_start3A_87 = tpu.memref_slice %arg2[%add3A_67, %dma_start3A_85, %dma_start3A_86] : memref<32768x8x128xf32, #tpu.memory_space<hbm>> -> memref<16x8x128xf32, #tpu.memory_space<hbm>>
    tpu.enqueue_dma source(%dma_start3A_87 : memref<16x8x128xf32, #tpu.memory_space<hbm>>) target(%dma_start3A_84 : memref<16x8x128xf32, #tpu.memory_space<vmem>>) target_semaphore(%dma_start3A_79 : memref<!tpu.dma_semaphore, #tpu.memory_space<semaphore_mem>>)
    %add3A_88 = arith.constant 0 : i32
    %add3A_89 = arith.addi %add3A_37, %add3A_88 : i32
    %add3A_90 = arith.constant 16 : i32
    %add3A_91 = arith.addi %add3A_89, %add3A_90 : i32
    %dma_start3A_92 = arith.constant 1 : i32
    %dma_start3A_93 = arith.constant 1 : i32
    %dma_start3A_94 = tpu.memref_slice %arg8[%dma_start3A_93] : memref<3x!tpu.dma_semaphore, #tpu.memory_space<semaphore_mem>> -> memref<1x!tpu.dma_semaphore, #tpu.memory_space<semaphore_mem>>
    %dma_start3A_95 = tpu.memref_squeeze %dma_start3A_94 : memref<1x!tpu.dma_semaphore, #tpu.memory_space<semaphore_mem>> -> memref<!tpu.dma_semaphore, #tpu.memory_space<semaphore_mem>>
    %dma_start3A_96 = arith.constant 0 : i32
    %dma_start3A_97 = arith.constant 0 : i32
    %dma_start3A_98 = arith.constant 0 : i32
    %dma_start3A_99 = arith.constant 0 : i32
    %dma_start3A_100 = tpu.memref_slice %arg7[%arg1, %dma_start3A_96, %dma_start3A_97, %dma_start3A_98, %dma_start3A_99] : memref<16x3x16x8x128xf32, #tpu.memory_space<vmem_shared>> -> memref<1x3x16x8x128xf32, #tpu.memory_space<vmem_shared>>
    %dma_start3A_101 = tpu.memref_squeeze %dma_start3A_100 : memref<1x3x16x8x128xf32, #tpu.memory_space<vmem_shared>> -> memref<3x16x8x128xf32, #tpu.memory_space<vmem_shared>>
    %dma_start3A_102 = arith.constant 0 : i32
    %dma_start3A_103 = arith.constant 0 : i32
    %dma_start3A_104 = arith.constant 0 : i32
    %dma_start3A_105 = tpu.memref_slice %dma_start3A_101[%dma_start3A_92, %dma_start3A_102, %dma_start3A_103, %dma_start3A_104] : memref<3x16x8x128xf32, #tpu.memory_space<vmem_shared>> -> memref<1x16x8x128xf32, #tpu.memory_space<vmem_shared>>
    %dma_start3A_106 = tpu.memref_squeeze %dma_start3A_105 : memref<1x16x8x128xf32, #tpu.memory_space<vmem_shared>> -> memref<16x8x128xf32, #tpu.memory_space<vmem_shared>>
    %dma_start3A_107 = arith.constant 0 : i32
    %dma_start3A_108 = arith.constant 0 : i32
    %dma_start3A_109 = tpu.memref_slice %arg2[%add3A_91, %dma_start3A_107, %dma_start3A_108] : memref<32768x8x128xf32, #tpu.memory_space<hbm>> -> memref<16x8x128xf32, #tpu.memory_space<hbm>>
    tpu.enqueue_dma source(%dma_start3A_109 : memref<16x8x128xf32, #tpu.memory_space<hbm>>) target(%dma_start3A_106 : memref<16x8x128xf32, #tpu.memory_space<vmem_shared>>) target_semaphore(%dma_start3A_95 : memref<!tpu.dma_semaphore, #tpu.memory_space<semaphore_mem>>)
    %add3A_110 = arith.constant 256 : i32
    %add3A_111 = arith.addi %add3A_37, %add3A_110 : i32
    %add3A_112 = arith.constant 16 : i32
    %add3A_113 = arith.addi %add3A_111, %add3A_112 : i32
    %dma_start3A_114 = arith.constant 1 : i32
    %dma_start3A_115 = arith.constant 1 : i32
    %dma_start3A_116 = arith.constant 0 : i32
    %dma_start3A_117 = arith.constant 0 : i32
    %dma_start3A_118 = arith.constant 0 : i32
    %dma_start3A_119 = tpu.memref_slice %arg6[%dma_start3A_114, %dma_start3A_116, %dma_start3A_117, %dma_start3A_118] : memref<3x16x8x128xf32, #tpu.memory_space<vmem>> -> memref<1x16x8x128xf32, #tpu.memory_space<vmem>>
    %dma_start3A_120 = tpu.memref_squeeze %dma_start3A_119 : memref<1x16x8x128xf32, #tpu.memory_space<vmem>> -> memref<16x8x128xf32, #tpu.memory_space<vmem>>
    %dma_start3A_121 = arith.constant 0 : i32
    %dma_start3A_122 = arith.constant 0 : i32
    %dma_start3A_123 = tpu.memref_slice %arg2[%add3A_113, %dma_start3A_121, %dma_start3A_122] : memref<32768x8x128xf32, #tpu.memory_space<hbm>> -> memref<16x8x128xf32, #tpu.memory_space<hbm>>
    %dma_start3A_124 = tpu.memref_slice %arg10[%dma_start3A_115] : memref<3x!tpu.dma_semaphore, #tpu.memory_space<semaphore_mem>> -> memref<1x!tpu.dma_semaphore, #tpu.memory_space<semaphore_mem>>
    %dma_start3A_125 = tpu.memref_squeeze %dma_start3A_124 : memref<1x!tpu.dma_semaphore, #tpu.memory_space<semaphore_mem>> -> memref<!tpu.dma_semaphore, #tpu.memory_space<semaphore_mem>>
    %dma_start3A_126 = arith.constant 0 : i32
    %dma_start3A_127 = arith.constant 0 : i32
    %dma_start3A_128 = arith.constant 0 : i32
    %dma_start3A_129 = tpu.memref_slice %arg6[%dma_start3A_114, %dma_start3A_126, %dma_start3A_127, %dma_start3A_128] : memref<3x16x8x128xf32, #tpu.memory_space<vmem>> -> memref<1x16x8x128xf32, #tpu.memory_space<vmem>>
    %dma_start3A_130 = tpu.memref_squeeze %dma_start3A_129 : memref<1x16x8x128xf32, #tpu.memory_space<vmem>> -> memref<16x8x128xf32, #tpu.memory_space<vmem>>
    %dma_start3A_131 = arith.constant 0 : i32
    %dma_start3A_132 = arith.constant 0 : i32
    %dma_start3A_133 = tpu.memref_slice %arg2[%add3A_113, %dma_start3A_131, %dma_start3A_132] : memref<32768x8x128xf32, #tpu.memory_space<hbm>> -> memref<16x8x128xf32, #tpu.memory_space<hbm>>
    tpu.enqueue_dma source(%dma_start3A_133 : memref<16x8x128xf32, #tpu.memory_space<hbm>>) target(%dma_start3A_130 : memref<16x8x128xf32, #tpu.memory_space<vmem>>) target_semaphore(%dma_start3A_125 : memref<!tpu.dma_semaphore, #tpu.memory_space<semaphore_mem>>)
    %scan3A = arith.constant 0 : i32
    %scan3A_134 = arith.constant 16 : i32
    %scan3A_135 = arith.addi %scan3A, %scan3A_134 : i32
    %scan3A_136 = arith.constant 1 : i32
    scf.for %scan3A_251 = %scan3A to %scan3A_135 step %scan3A_136  : i32 {
      %mul3A_252 = arith.constant 1 : i32
      %mul3A_253 = arith.muli %scan3A_251, %mul3A_252 : i32
      %add3A_254 = arith.constant 0 : i32
      %add3A_255 = arith.addi %add3A_254, %mul3A_253 : i32
      %rem3A_256 = arith.constant 3 : i32
      %rem3A_257 = arith.remsi %add3A_255, %rem3A_256 : i32
      %add3A_258 = arith.constant 3 : i32
      %add3A_259 = arith.addi %add3A_255, %add3A_258 : i32
      %sub3A_260 = arith.constant 1 : i32
      %sub3A_261 = arith.subi %add3A_259, %sub3A_260 : i32
      %rem3A_262 = arith.constant 3 : i32
      %rem3A_263 = arith.remsi %sub3A_261, %rem3A_262 : i32
      %add3A_264 = arith.constant 3 : i32
      %add3A_265 = arith.addi %add3A_255, %add3A_264 : i32
      %sub3A_266 = arith.constant 1 : i32
      %sub3A_267 = arith.subi %add3A_265, %sub3A_266 : i32
      %lt3A_268 = arith.constant 16 : i32
      %lt3A_269 = arith.cmpi slt, %sub3A_267, %lt3A_268 : i32
      %convert_element_type3A = arith.extui %lt3A_269 : i1 to i32
      %cond3A = arith.constant 0 : i32
      %cond3A_270 = arith.cmpi ne, %convert_element_type3A, %cond3A : i32
      scf.if %cond3A_270 {
        %ge3A = arith.constant 1 : i32
        %ge3A_358 = arith.cmpi sge, %add3A_255, %ge3A : i32
        %convert_element_type3A_359 = arith.extui %ge3A_358 : i1 to i32
        %cond3A_360 = arith.constant 0 : i32
        %cond3A_361 = arith.cmpi ne, %convert_element_type3A_359, %cond3A_360 : i32
        scf.if %cond3A_361 {
          %dma_wait3A_387 = tpu.memref_slice %arg9[%rem3A_263] : memref<3x!tpu.dma_semaphore, #tpu.memory_space<semaphore_mem>> -> memref<1x!tpu.dma_semaphore, #tpu.memory_space<semaphore_mem>>
          %dma_wait3A_388 = tpu.memref_squeeze %dma_wait3A_387 : memref<1x!tpu.dma_semaphore, #tpu.memory_space<semaphore_mem>> -> memref<!tpu.dma_semaphore, #tpu.memory_space<semaphore_mem>>
          %dma_wait3A_389 = arith.constant 0 : i32
          %dma_wait3A_390 = arith.constant 0 : i32
          %dma_wait3A_391 = tpu.memref_slice %arg4[%add3A_42, %dma_wait3A_389, %dma_wait3A_390] : memref<16384x8x128xf32, #tpu.memory_space<hbm>> -> memref<16x8x128xf32, #tpu.memory_space<hbm>>
          %dma_wait3A_392 = arith.constant 0 : i32
          %dma_wait3A_393 = arith.constant 0 : i32
          %dma_wait3A_394 = arith.constant 0 : i32
          %dma_wait3A_395 = arith.constant 0 : i32
          %dma_wait3A_396 = tpu.memref_slice %arg7[%arg1, %dma_wait3A_392, %dma_wait3A_393, %dma_wait3A_394, %dma_wait3A_395] : memref<16x3x16x8x128xf32, #tpu.memory_space<vmem_shared>> -> memref<1x3x16x8x128xf32, #tpu.memory_space<vmem_shared>>
          %dma_wait3A_397 = tpu.memref_squeeze %dma_wait3A_396 : memref<1x3x16x8x128xf32, #tpu.memory_space<vmem_shared>> -> memref<3x16x8x128xf32, #tpu.memory_space<vmem_shared>>
          %dma_wait3A_398 = arith.constant 0 : i32
          %dma_wait3A_399 = arith.constant 0 : i32
          %dma_wait3A_400 = arith.constant 0 : i32
          %dma_wait3A_401 = tpu.memref_slice %dma_wait3A_397[%rem3A_263, %dma_wait3A_398, %dma_wait3A_399, %dma_wait3A_400] : memref<3x16x8x128xf32, #tpu.memory_space<vmem_shared>> -> memref<1x16x8x128xf32, #tpu.memory_space<vmem_shared>>
          %dma_wait3A_402 = tpu.memref_squeeze %dma_wait3A_401 : memref<1x16x8x128xf32, #tpu.memory_space<vmem_shared>> -> memref<16x8x128xf32, #tpu.memory_space<vmem_shared>>
          tpu.wait_dma2 semaphore(%dma_wait3A_388 : memref<!tpu.dma_semaphore, #tpu.memory_space<semaphore_mem>>) src(%dma_wait3A_402 : memref<16x8x128xf32, #tpu.memory_space<vmem_shared>>) dst(%dma_wait3A_391 : memref<16x8x128xf32, #tpu.memory_space<hbm>>)
        } else {
        }
        %add3A_362 = arith.constant 3 : i32
        %add3A_363 = arith.addi %add3A_255, %add3A_362 : i32
        %sub3A_364 = arith.constant 1 : i32
        %sub3A_365 = arith.subi %add3A_363, %sub3A_364 : i32
        %add3A_366 = arith.constant 0 : i32
        %add3A_367 = arith.addi %add3A_37, %add3A_366 : i32
        %mul3A_368 = arith.constant 16 : i32
        %mul3A_369 = arith.muli %sub3A_365, %mul3A_368 : i32
        %add3A_370 = arith.addi %add3A_367, %mul3A_369 : i32
        %dma_start3A_371 = tpu.memref_slice %arg8[%rem3A_263] : memref<3x!tpu.dma_semaphore, #tpu.memory_space<semaphore_mem>> -> memref<1x!tpu.dma_semaphore, #tpu.memory_space<semaphore_mem>>
        %dma_start3A_372 = tpu.memref_squeeze %dma_start3A_371 : memref<1x!tpu.dma_semaphore, #tpu.memory_space<semaphore_mem>> -> memref<!tpu.dma_semaphore, #tpu.memory_space<semaphore_mem>>
        %dma_start3A_373 = arith.constant 0 : i32
        %dma_start3A_374 = arith.constant 0 : i32
        %dma_start3A_375 = arith.constant 0 : i32
        %dma_start3A_376 = arith.constant 0 : i32
        %dma_start3A_377 = tpu.memref_slice %arg7[%arg1, %dma_start3A_373, %dma_start3A_374, %dma_start3A_375, %dma_start3A_376] : memref<16x3x16x8x128xf32, #tpu.memory_space<vmem_shared>> -> memref<1x3x16x8x128xf32, #tpu.memory_space<vmem_shared>>
        %dma_start3A_378 = tpu.memref_squeeze %dma_start3A_377 : memref<1x3x16x8x128xf32, #tpu.memory_space<vmem_shared>> -> memref<3x16x8x128xf32, #tpu.memory_space<vmem_shared>>
        %dma_start3A_379 = arith.constant 0 : i32
        %dma_start3A_380 = arith.constant 0 : i32
        %dma_start3A_381 = arith.constant 0 : i32
        %dma_start3A_382 = tpu.memref_slice %dma_start3A_378[%rem3A_263, %dma_start3A_379, %dma_start3A_380, %dma_start3A_381] : memref<3x16x8x128xf32, #tpu.memory_space<vmem_shared>> -> memref<1x16x8x128xf32, #tpu.memory_space<vmem_shared>>
        %dma_start3A_383 = tpu.memref_squeeze %dma_start3A_382 : memref<1x16x8x128xf32, #tpu.memory_space<vmem_shared>> -> memref<16x8x128xf32, #tpu.memory_space<vmem_shared>>
        %dma_start3A_384 = arith.constant 0 : i32
        %dma_start3A_385 = arith.constant 0 : i32
        %dma_start3A_386 = tpu.memref_slice %arg2[%add3A_370, %dma_start3A_384, %dma_start3A_385] : memref<32768x8x128xf32, #tpu.memory_space<hbm>> -> memref<16x8x128xf32, #tpu.memory_space<hbm>>
        tpu.enqueue_dma source(%dma_start3A_386 : memref<16x8x128xf32, #tpu.memory_space<hbm>>) target(%dma_start3A_383 : memref<16x8x128xf32, #tpu.memory_space<vmem_shared>>) target_semaphore(%dma_start3A_372 : memref<!tpu.dma_semaphore, #tpu.memory_space<semaphore_mem>>)
      } else {
      }
      %dma_wait3A_271 = tpu.memref_slice %arg8[%rem3A_257] : memref<3x!tpu.dma_semaphore, #tpu.memory_space<semaphore_mem>> -> memref<1x!tpu.dma_semaphore, #tpu.memory_space<semaphore_mem>>
      %dma_wait3A_272 = tpu.memref_squeeze %dma_wait3A_271 : memref<1x!tpu.dma_semaphore, #tpu.memory_space<semaphore_mem>> -> memref<!tpu.dma_semaphore, #tpu.memory_space<semaphore_mem>>
      %dma_wait3A_273 = arith.constant 0 : i32
      %dma_wait3A_274 = arith.constant 0 : i32
      %dma_wait3A_275 = arith.constant 0 : i32
      %dma_wait3A_276 = arith.constant 0 : i32
      %dma_wait3A_277 = tpu.memref_slice %arg7[%arg1, %dma_wait3A_273, %dma_wait3A_274, %dma_wait3A_275, %dma_wait3A_276] : memref<16x3x16x8x128xf32, #tpu.memory_space<vmem_shared>> -> memref<1x3x16x8x128xf32, #tpu.memory_space<vmem_shared>>
      %dma_wait3A_278 = tpu.memref_squeeze %dma_wait3A_277 : memref<1x3x16x8x128xf32, #tpu.memory_space<vmem_shared>> -> memref<3x16x8x128xf32, #tpu.memory_space<vmem_shared>>
      %dma_wait3A_279 = arith.constant 0 : i32
      %dma_wait3A_280 = arith.constant 0 : i32
      %dma_wait3A_281 = arith.constant 0 : i32
      %dma_wait3A_282 = tpu.memref_slice %dma_wait3A_278[%rem3A_257, %dma_wait3A_279, %dma_wait3A_280, %dma_wait3A_281] : memref<3x16x8x128xf32, #tpu.memory_space<vmem_shared>> -> memref<1x16x8x128xf32, #tpu.memory_space<vmem_shared>>
      %dma_wait3A_283 = tpu.memref_squeeze %dma_wait3A_282 : memref<1x16x8x128xf32, #tpu.memory_space<vmem_shared>> -> memref<16x8x128xf32, #tpu.memory_space<vmem_shared>>
      %dma_wait3A_284 = arith.constant 0 : i32
      %dma_wait3A_285 = arith.constant 0 : i32
      %dma_wait3A_286 = tpu.memref_slice %arg2[%add3A_37, %dma_wait3A_284, %dma_wait3A_285] : memref<32768x8x128xf32, #tpu.memory_space<hbm>> -> memref<16x8x128xf32, #tpu.memory_space<hbm>>
      tpu.wait_dma2 semaphore(%dma_wait3A_272 : memref<!tpu.dma_semaphore, #tpu.memory_space<semaphore_mem>>) src(%dma_wait3A_286 : memref<16x8x128xf32, #tpu.memory_space<hbm>>) dst(%dma_wait3A_283 : memref<16x8x128xf32, #tpu.memory_space<vmem_shared>>)
      %add3A_287 = arith.constant 0 : i32
      %add3A_288 = arith.addi %add3A_42, %add3A_287 : i32
      %mul3A_289 = arith.constant 16 : i32
      %mul3A_290 = arith.muli %add3A_255, %mul3A_289 : i32
      %add3A_291 = arith.addi %add3A_288, %mul3A_290 : i32
      %dma_start3A_292 = tpu.memref_slice %arg9[%rem3A_257] : memref<3x!tpu.dma_semaphore, #tpu.memory_space<semaphore_mem>> -> memref<1x!tpu.dma_semaphore, #tpu.memory_space<semaphore_mem>>
      %dma_start3A_293 = tpu.memref_squeeze %dma_start3A_292 : memref<1x!tpu.dma_semaphore, #tpu.memory_space<semaphore_mem>> -> memref<!tpu.dma_semaphore, #tpu.memory_space<semaphore_mem>>
      %dma_start3A_294 = arith.constant 0 : i32
      %dma_start3A_295 = arith.constant 0 : i32
      %dma_start3A_296 = tpu.memref_slice %arg4[%add3A_291, %dma_start3A_294, %dma_start3A_295] : memref<16384x8x128xf32, #tpu.memory_space<hbm>> -> memref<16x8x128xf32, #tpu.memory_space<hbm>>
      %dma_start3A_297 = arith.constant 0 : i32
      %dma_start3A_298 = arith.constant 0 : i32
      %dma_start3A_299 = arith.constant 0 : i32
      %dma_start3A_300 = arith.constant 0 : i32
      %dma_start3A_301 = tpu.memref_slice %arg7[%arg1, %dma_start3A_297, %dma_start3A_298, %dma_start3A_299, %dma_start3A_300] : memref<16x3x16x8x128xf32, #tpu.memory_space<vmem_shared>> -> memref<1x3x16x8x128xf32, #tpu.memory_space<vmem_shared>>
      %dma_start3A_302 = tpu.memref_squeeze %dma_start3A_301 : memref<1x3x16x8x128xf32, #tpu.memory_space<vmem_shared>> -> memref<3x16x8x128xf32, #tpu.memory_space<vmem_shared>>
      %dma_start3A_303 = arith.constant 0 : i32
      %dma_start3A_304 = arith.constant 0 : i32
      %dma_start3A_305 = arith.constant 0 : i32
      %dma_start3A_306 = tpu.memref_slice %dma_start3A_302[%rem3A_257, %dma_start3A_303, %dma_start3A_304, %dma_start3A_305] : memref<3x16x8x128xf32, #tpu.memory_space<vmem_shared>> -> memref<1x16x8x128xf32, #tpu.memory_space<vmem_shared>>
      %dma_start3A_307 = tpu.memref_squeeze %dma_start3A_306 : memref<1x16x8x128xf32, #tpu.memory_space<vmem_shared>> -> memref<16x8x128xf32, #tpu.memory_space<vmem_shared>>
      tpu.enqueue_dma source(%dma_start3A_307 : memref<16x8x128xf32, #tpu.memory_space<vmem_shared>>) target(%dma_start3A_296 : memref<16x8x128xf32, #tpu.memory_space<hbm>>) target_semaphore(%dma_start3A_293 : memref<!tpu.dma_semaphore, #tpu.memory_space<semaphore_mem>>)
      %add3A_308 = arith.constant 3 : i32
      %add3A_309 = arith.addi %add3A_255, %add3A_308 : i32
      %sub3A_310 = arith.constant 1 : i32
      %sub3A_311 = arith.subi %add3A_309, %sub3A_310 : i32
      %lt3A_312 = arith.constant 16 : i32
      %lt3A_313 = arith.cmpi slt, %sub3A_311, %lt3A_312 : i32
      %convert_element_type3A_314 = arith.extui %lt3A_313 : i1 to i32
      %cond3A_315 = arith.constant 0 : i32
      %cond3A_316 = arith.cmpi ne, %convert_element_type3A_314, %cond3A_315 : i32
      scf.if %cond3A_316 {
        %ge3A = arith.constant 1 : i32
        %ge3A_358 = arith.cmpi sge, %add3A_255, %ge3A : i32
        %convert_element_type3A_359 = arith.extui %ge3A_358 : i1 to i32
        %cond3A_360 = arith.constant 0 : i32
        %cond3A_361 = arith.cmpi ne, %convert_element_type3A_359, %cond3A_360 : i32
        scf.if %cond3A_361 {
          %dma_wait3A_389 = arith.constant 0 : i32
          %dma_wait3A_390 = arith.constant 0 : i32
          %dma_wait3A_391 = arith.constant 0 : i32
          %dma_wait3A_392 = tpu.memref_slice %arg6[%rem3A_263, %dma_wait3A_389, %dma_wait3A_390, %dma_wait3A_391] : memref<3x16x8x128xf32, #tpu.memory_space<vmem>> -> memref<1x16x8x128xf32, #tpu.memory_space<vmem>>
          %dma_wait3A_393 = tpu.memref_squeeze %dma_wait3A_392 : memref<1x16x8x128xf32, #tpu.memory_space<vmem>> -> memref<16x8x128xf32, #tpu.memory_space<vmem>>
          %dma_wait3A_394 = arith.constant 0 : i32
          %dma_wait3A_395 = arith.constant 0 : i32
          %dma_wait3A_396 = tpu.memref_slice %arg4[%add3A_42, %dma_wait3A_394, %dma_wait3A_395] : memref<16384x8x128xf32, #tpu.memory_space<hbm>> -> memref<16x8x128xf32, #tpu.memory_space<hbm>>
          %dma_wait3A_397 = tpu.memref_slice %arg11[%rem3A_263] : memref<3x!tpu.dma_semaphore, #tpu.memory_space<semaphore_mem>> -> memref<1x!tpu.dma_semaphore, #tpu.memory_space<semaphore_mem>>
          %dma_wait3A_398 = tpu.memref_squeeze %dma_wait3A_397 : memref<1x!tpu.dma_semaphore, #tpu.memory_space<semaphore_mem>> -> memref<!tpu.dma_semaphore, #tpu.memory_space<semaphore_mem>>
          %dma_wait3A_399 = arith.constant 0 : i32
          %dma_wait3A_400 = arith.constant 0 : i32
          %dma_wait3A_401 = tpu.memref_slice %arg4[%add3A_42, %dma_wait3A_399, %dma_wait3A_400] : memref<16384x8x128xf32, #tpu.memory_space<hbm>> -> memref<16x8x128xf32, #tpu.memory_space<hbm>>
          %dma_wait3A_402 = arith.constant 0 : i32
          %dma_wait3A_403 = arith.constant 0 : i32
          %dma_wait3A_404 = arith.constant 0 : i32
          %dma_wait3A_405 = tpu.memref_slice %arg6[%rem3A_263, %dma_wait3A_402, %dma_wait3A_403, %dma_wait3A_404] : memref<3x16x8x128xf32, #tpu.memory_space<vmem>> -> memref<1x16x8x128xf32, #tpu.memory_space<vmem>>
          %dma_wait3A_406 = tpu.memref_squeeze %dma_wait3A_405 : memref<1x16x8x128xf32, #tpu.memory_space<vmem>> -> memref<16x8x128xf32, #tpu.memory_space<vmem>>
          tpu.wait_dma2 semaphore(%dma_wait3A_398 : memref<!tpu.dma_semaphore, #tpu.memory_space<semaphore_mem>>) src(%dma_wait3A_406 : memref<16x8x128xf32, #tpu.memory_space<vmem>>) dst(%dma_wait3A_401 : memref<16x8x128xf32, #tpu.memory_space<hbm>>)
        } else {
        }
        %add3A_362 = arith.constant 3 : i32
        %add3A_363 = arith.addi %add3A_255, %add3A_362 : i32
        %sub3A_364 = arith.constant 1 : i32
        %sub3A_365 = arith.subi %add3A_363, %sub3A_364 : i32
        %add3A_366 = arith.constant 256 : i32
        %add3A_367 = arith.addi %add3A_37, %add3A_366 : i32
        %mul3A_368 = arith.constant 16 : i32
        %mul3A_369 = arith.muli %sub3A_365, %mul3A_368 : i32
        %add3A_370 = arith.addi %add3A_367, %mul3A_369 : i32
        %dma_start3A_371 = arith.constant 0 : i32
        %dma_start3A_372 = arith.constant 0 : i32
        %dma_start3A_373 = arith.constant 0 : i32
        %dma_start3A_374 = tpu.memref_slice %arg6[%rem3A_263, %dma_start3A_371, %dma_start3A_372, %dma_start3A_373] : memref<3x16x8x128xf32, #tpu.memory_space<vmem>> -> memref<1x16x8x128xf32, #tpu.memory_space<vmem>>
        %dma_start3A_375 = tpu.memref_squeeze %dma_start3A_374 : memref<1x16x8x128xf32, #tpu.memory_space<vmem>> -> memref<16x8x128xf32, #tpu.memory_space<vmem>>
        %dma_start3A_376 = arith.constant 0 : i32
        %dma_start3A_377 = arith.constant 0 : i32
        %dma_start3A_378 = tpu.memref_slice %arg2[%add3A_370, %dma_start3A_376, %dma_start3A_377] : memref<32768x8x128xf32, #tpu.memory_space<hbm>> -> memref<16x8x128xf32, #tpu.memory_space<hbm>>
        %dma_start3A_379 = tpu.memref_slice %arg10[%rem3A_263] : memref<3x!tpu.dma_semaphore, #tpu.memory_space<semaphore_mem>> -> memref<1x!tpu.dma_semaphore, #tpu.memory_space<semaphore_mem>>
        %dma_start3A_380 = tpu.memref_squeeze %dma_start3A_379 : memref<1x!tpu.dma_semaphore, #tpu.memory_space<semaphore_mem>> -> memref<!tpu.dma_semaphore, #tpu.memory_space<semaphore_mem>>
        %dma_start3A_381 = arith.constant 0 : i32
        %dma_start3A_382 = arith.constant 0 : i32
        %dma_start3A_383 = arith.constant 0 : i32
        %dma_start3A_384 = tpu.memref_slice %arg6[%rem3A_263, %dma_start3A_381, %dma_start3A_382, %dma_start3A_383] : memref<3x16x8x128xf32, #tpu.memory_space<vmem>> -> memref<1x16x8x128xf32, #tpu.memory_space<vmem>>
        %dma_start3A_385 = tpu.memref_squeeze %dma_start3A_384 : memref<1x16x8x128xf32, #tpu.memory_space<vmem>> -> memref<16x8x128xf32, #tpu.memory_space<vmem>>
        %dma_start3A_386 = arith.constant 0 : i32
        %dma_start3A_387 = arith.constant 0 : i32
        %dma_start3A_388 = tpu.memref_slice %arg2[%add3A_370, %dma_start3A_386, %dma_start3A_387] : memref<32768x8x128xf32, #tpu.memory_space<hbm>> -> memref<16x8x128xf32, #tpu.memory_space<hbm>>
        tpu.enqueue_dma source(%dma_start3A_388 : memref<16x8x128xf32, #tpu.memory_space<hbm>>) target(%dma_start3A_385 : memref<16x8x128xf32, #tpu.memory_space<vmem>>) target_semaphore(%dma_start3A_380 : memref<!tpu.dma_semaphore, #tpu.memory_space<semaphore_mem>>)
      } else {
      }
      %dma_wait3A_317 = arith.constant 0 : i32
      %dma_wait3A_318 = arith.constant 0 : i32
      %dma_wait3A_319 = arith.constant 0 : i32
      %dma_wait3A_320 = tpu.memref_slice %arg6[%rem3A_257, %dma_wait3A_317, %dma_wait3A_318, %dma_wait3A_319] : memref<3x16x8x128xf32, #tpu.memory_space<vmem>> -> memref<1x16x8x128xf32, #tpu.memory_space<vmem>>
      %dma_wait3A_321 = tpu.memref_squeeze %dma_wait3A_320 : memref<1x16x8x128xf32, #tpu.memory_space<vmem>> -> memref<16x8x128xf32, #tpu.memory_space<vmem>>
      %dma_wait3A_322 = arith.constant 0 : i32
      %dma_wait3A_323 = arith.constant 0 : i32
      %dma_wait3A_324 = tpu.memref_slice %arg2[%add3A_37, %dma_wait3A_322, %dma_wait3A_323] : memref<32768x8x128xf32, #tpu.memory_space<hbm>> -> memref<16x8x128xf32, #tpu.memory_space<hbm>>
      %dma_wait3A_325 = tpu.memref_slice %arg10[%rem3A_257] : memref<3x!tpu.dma_semaphore, #tpu.memory_space<semaphore_mem>> -> memref<1x!tpu.dma_semaphore, #tpu.memory_space<semaphore_mem>>
      %dma_wait3A_326 = tpu.memref_squeeze %dma_wait3A_325 : memref<1x!tpu.dma_semaphore, #tpu.memory_space<semaphore_mem>> -> memref<!tpu.dma_semaphore, #tpu.memory_space<semaphore_mem>>
      %dma_wait3A_327 = arith.constant 0 : i32
      %dma_wait3A_328 = arith.constant 0 : i32
      %dma_wait3A_329 = arith.constant 0 : i32
      %dma_wait3A_330 = tpu.memref_slice %arg6[%rem3A_257, %dma_wait3A_327, %dma_wait3A_328, %dma_wait3A_329] : memref<3x16x8x128xf32, #tpu.memory_space<vmem>> -> memref<1x16x8x128xf32, #tpu.memory_space<vmem>>
      %dma_wait3A_331 = tpu.memref_squeeze %dma_wait3A_330 : memref<1x16x8x128xf32, #tpu.memory_space<vmem>> -> memref<16x8x128xf32, #tpu.memory_space<vmem>>
      %dma_wait3A_332 = arith.constant 0 : i32
      %dma_wait3A_333 = arith.constant 0 : i32
      %dma_wait3A_334 = tpu.memref_slice %arg2[%add3A_37, %dma_wait3A_332, %dma_wait3A_333] : memref<32768x8x128xf32, #tpu.memory_space<hbm>> -> memref<16x8x128xf32, #tpu.memory_space<hbm>>
      tpu.wait_dma2 semaphore(%dma_wait3A_326 : memref<!tpu.dma_semaphore, #tpu.memory_space<semaphore_mem>>) src(%dma_wait3A_334 : memref<16x8x128xf32, #tpu.memory_space<hbm>>) dst(%dma_wait3A_331 : memref<16x8x128xf32, #tpu.memory_space<vmem>>)
      %add3A_335 = arith.constant 256 : i32
      %add3A_336 = arith.addi %add3A_42, %add3A_335 : i32
      %mul3A_337 = arith.constant 16 : i32
      %mul3A_338 = arith.muli %add3A_255, %mul3A_337 : i32
      %add3A_339 = arith.addi %add3A_336, %mul3A_338 : i32
      %dma_start3A_340 = arith.constant 0 : i32
      %dma_start3A_341 = arith.constant 0 : i32
      %dma_start3A_342 = arith.constant 0 : i32
      %dma_start3A_343 = tpu.memref_slice %arg6[%rem3A_257, %dma_start3A_340, %dma_start3A_341, %dma_start3A_342] : memref<3x16x8x128xf32, #tpu.memory_space<vmem>> -> memref<1x16x8x128xf32, #tpu.memory_space<vmem>>
      %dma_start3A_344 = tpu.memref_squeeze %dma_start3A_343 : memref<1x16x8x128xf32, #tpu.memory_space<vmem>> -> memref<16x8x128xf32, #tpu.memory_space<vmem>>
      %dma_start3A_345 = arith.constant 0 : i32
      %dma_start3A_346 = arith.constant 0 : i32
      %dma_start3A_347 = tpu.memref_slice %arg4[%add3A_339, %dma_start3A_345, %dma_start3A_346] : memref<16384x8x128xf32, #tpu.memory_space<hbm>> -> memref<16x8x128xf32, #tpu.memory_space<hbm>>
      %dma_start3A_348 = tpu.memref_slice %arg11[%rem3A_257] : memref<3x!tpu.dma_semaphore, #tpu.memory_space<semaphore_mem>> -> memref<1x!tpu.dma_semaphore, #tpu.memory_space<semaphore_mem>>
      %dma_start3A_349 = tpu.memref_squeeze %dma_start3A_348 : memref<1x!tpu.dma_semaphore, #tpu.memory_space<semaphore_mem>> -> memref<!tpu.dma_semaphore, #tpu.memory_space<semaphore_mem>>
      %dma_start3A_350 = arith.constant 0 : i32
      %dma_start3A_351 = arith.constant 0 : i32
      %dma_start3A_352 = tpu.memref_slice %arg4[%add3A_339, %dma_start3A_350, %dma_start3A_351] : memref<16384x8x128xf32, #tpu.memory_space<hbm>> -> memref<16x8x128xf32, #tpu.memory_space<hbm>>
      %dma_start3A_353 = arith.constant 0 : i32
      %dma_start3A_354 = arith.constant 0 : i32
      %dma_start3A_355 = arith.constant 0 : i32
      %dma_start3A_356 = tpu.memref_slice %arg6[%rem3A_257, %dma_start3A_353, %dma_start3A_354, %dma_start3A_355] : memref<3x16x8x128xf32, #tpu.memory_space<vmem>> -> memref<1x16x8x128xf32, #tpu.memory_space<vmem>>
      %dma_start3A_357 = tpu.memref_squeeze %dma_start3A_356 : memref<1x16x8x128xf32, #tpu.memory_space<vmem>> -> memref<16x8x128xf32, #tpu.memory_space<vmem>>
      tpu.enqueue_dma source(%dma_start3A_357 : memref<16x8x128xf32, #tpu.memory_space<vmem>>) target(%dma_start3A_352 : memref<16x8x128xf32, #tpu.memory_space<hbm>>) target_semaphore(%dma_start3A_349 : memref<!tpu.dma_semaphore, #tpu.memory_space<semaphore_mem>>)
    }
    %scan3A_137 = arith.constant 16 : i32
    %dma_wait3A = arith.constant 0 : i32
    %dma_wait3A_138 = arith.constant 0 : i32
    %dma_wait3A_139 = tpu.memref_slice %arg9[%dma_wait3A_138] : memref<3x!tpu.dma_semaphore, #tpu.memory_space<semaphore_mem>> -> memref<1x!tpu.dma_semaphore, #tpu.memory_space<semaphore_mem>>
    %dma_wait3A_140 = tpu.memref_squeeze %dma_wait3A_139 : memref<1x!tpu.dma_semaphore, #tpu.memory_space<semaphore_mem>> -> memref<!tpu.dma_semaphore, #tpu.memory_space<semaphore_mem>>
    %dma_wait3A_141 = arith.constant 0 : i32
    %dma_wait3A_142 = arith.constant 0 : i32
    %dma_wait3A_143 = tpu.memref_slice %arg4[%add3A_42, %dma_wait3A_141, %dma_wait3A_142] : memref<16384x8x128xf32, #tpu.memory_space<hbm>> -> memref<16x8x128xf32, #tpu.memory_space<hbm>>
    %dma_wait3A_144 = arith.constant 0 : i32
    %dma_wait3A_145 = arith.constant 0 : i32
    %dma_wait3A_146 = arith.constant 0 : i32
    %dma_wait3A_147 = arith.constant 0 : i32
    %dma_wait3A_148 = tpu.memref_slice %arg7[%arg1, %dma_wait3A_144, %dma_wait3A_145, %dma_wait3A_146, %dma_wait3A_147] : memref<16x3x16x8x128xf32, #tpu.memory_space<vmem_shared>> -> memref<1x3x16x8x128xf32, #tpu.memory_space<vmem_shared>>
    %dma_wait3A_149 = tpu.memref_squeeze %dma_wait3A_148 : memref<1x3x16x8x128xf32, #tpu.memory_space<vmem_shared>> -> memref<3x16x8x128xf32, #tpu.memory_space<vmem_shared>>
    %dma_wait3A_150 = arith.constant 0 : i32
    %dma_wait3A_151 = arith.constant 0 : i32
    %dma_wait3A_152 = arith.constant 0 : i32
    %dma_wait3A_153 = tpu.memref_slice %dma_wait3A_149[%dma_wait3A, %dma_wait3A_150, %dma_wait3A_151, %dma_wait3A_152] : memref<3x16x8x128xf32, #tpu.memory_space<vmem_shared>> -> memref<1x16x8x128xf32, #tpu.memory_space<vmem_shared>>
    %dma_wait3A_154 = tpu.memref_squeeze %dma_wait3A_153 : memref<1x16x8x128xf32, #tpu.memory_space<vmem_shared>> -> memref<16x8x128xf32, #tpu.memory_space<vmem_shared>>
    tpu.wait_dma2 semaphore(%dma_wait3A_140 : memref<!tpu.dma_semaphore, #tpu.memory_space<semaphore_mem>>) src(%dma_wait3A_154 : memref<16x8x128xf32, #tpu.memory_space<vmem_shared>>) dst(%dma_wait3A_143 : memref<16x8x128xf32, #tpu.memory_space<hbm>>)
    %dma_wait3A_155 = arith.constant 0 : i32
    %dma_wait3A_156 = arith.constant 0 : i32
    %dma_wait3A_157 = arith.constant 0 : i32
    %dma_wait3A_158 = arith.constant 0 : i32
    %dma_wait3A_159 = arith.constant 0 : i32
    %dma_wait3A_160 = tpu.memref_slice %arg6[%dma_wait3A_155, %dma_wait3A_157, %dma_wait3A_158, %dma_wait3A_159] : memref<3x16x8x128xf32, #tpu.memory_space<vmem>> -> memref<1x16x8x128xf32, #tpu.memory_space<vmem>>
    %dma_wait3A_161 = tpu.memref_squeeze %dma_wait3A_160 : memref<1x16x8x128xf32, #tpu.memory_space<vmem>> -> memref<16x8x128xf32, #tpu.memory_space<vmem>>
    %dma_wait3A_162 = arith.constant 0 : i32
    %dma_wait3A_163 = arith.constant 0 : i32
    %dma_wait3A_164 = tpu.memref_slice %arg4[%add3A_42, %dma_wait3A_162, %dma_wait3A_163] : memref<16384x8x128xf32, #tpu.memory_space<hbm>> -> memref<16x8x128xf32, #tpu.memory_space<hbm>>
    %dma_wait3A_165 = tpu.memref_slice %arg11[%dma_wait3A_156] : memref<3x!tpu.dma_semaphore, #tpu.memory_space<semaphore_mem>> -> memref<1x!tpu.dma_semaphore, #tpu.memory_space<semaphore_mem>>
    %dma_wait3A_166 = tpu.memref_squeeze %dma_wait3A_165 : memref<1x!tpu.dma_semaphore, #tpu.memory_space<semaphore_mem>> -> memref<!tpu.dma_semaphore, #tpu.memory_space<semaphore_mem>>
    %dma_wait3A_167 = arith.constant 0 : i32
    %dma_wait3A_168 = arith.constant 0 : i32
    %dma_wait3A_169 = tpu.memref_slice %arg4[%add3A_42, %dma_wait3A_167, %dma_wait3A_168] : memref<16384x8x128xf32, #tpu.memory_space<hbm>> -> memref<16x8x128xf32, #tpu.memory_space<hbm>>
    %dma_wait3A_170 = arith.constant 0 : i32
    %dma_wait3A_171 = arith.constant 0 : i32
    %dma_wait3A_172 = arith.constant 0 : i32
    %dma_wait3A_173 = tpu.memref_slice %arg6[%dma_wait3A_155, %dma_wait3A_170, %dma_wait3A_171, %dma_wait3A_172] : memref<3x16x8x128xf32, #tpu.memory_space<vmem>> -> memref<1x16x8x128xf32, #tpu.memory_space<vmem>>
    %dma_wait3A_174 = tpu.memref_squeeze %dma_wait3A_173 : memref<1x16x8x128xf32, #tpu.memory_space<vmem>> -> memref<16x8x128xf32, #tpu.memory_space<vmem>>
    tpu.wait_dma2 semaphore(%dma_wait3A_166 : memref<!tpu.dma_semaphore, #tpu.memory_space<semaphore_mem>>) src(%dma_wait3A_174 : memref<16x8x128xf32, #tpu.memory_space<vmem>>) dst(%dma_wait3A_169 : memref<16x8x128xf32, #tpu.memory_space<hbm>>)
    %dma_wait3A_175 = arith.constant 1 : i32
    %dma_wait3A_176 = arith.constant 1 : i32
    %dma_wait3A_177 = tpu.memref_slice %arg9[%dma_wait3A_176] : memref<3x!tpu.dma_semaphore, #tpu.memory_space<semaphore_mem>> -> memref<1x!tpu.dma_semaphore, #tpu.memory_space<semaphore_mem>>
    %dma_wait3A_178 = tpu.memref_squeeze %dma_wait3A_177 : memref<1x!tpu.dma_semaphore, #tpu.memory_space<semaphore_mem>> -> memref<!tpu.dma_semaphore, #tpu.memory_space<semaphore_mem>>
    %dma_wait3A_179 = arith.constant 0 : i32
    %dma_wait3A_180 = arith.constant 0 : i32
    %dma_wait3A_181 = tpu.memref_slice %arg4[%add3A_42, %dma_wait3A_179, %dma_wait3A_180] : memref<16384x8x128xf32, #tpu.memory_space<hbm>> -> memref<16x8x128xf32, #tpu.memory_space<hbm>>
    %dma_wait3A_182 = arith.constant 0 : i32
    %dma_wait3A_183 = arith.constant 0 : i32
    %dma_wait3A_184 = arith.constant 0 : i32
    %dma_wait3A_185 = arith.constant 0 : i32
    %dma_wait3A_186 = tpu.memref_slice %arg7[%arg1, %dma_wait3A_182, %dma_wait3A_183, %dma_wait3A_184, %dma_wait3A_185] : memref<16x3x16x8x128xf32, #tpu.memory_space<vmem_shared>> -> memref<1x3x16x8x128xf32, #tpu.memory_space<vmem_shared>>
    %dma_wait3A_187 = tpu.memref_squeeze %dma_wait3A_186 : memref<1x3x16x8x128xf32, #tpu.memory_space<vmem_shared>> -> memref<3x16x8x128xf32, #tpu.memory_space<vmem_shared>>
    %dma_wait3A_188 = arith.constant 0 : i32
    %dma_wait3A_189 = arith.constant 0 : i32
    %dma_wait3A_190 = arith.constant 0 : i32
    %dma_wait3A_191 = tpu.memref_slice %dma_wait3A_187[%dma_wait3A_175, %dma_wait3A_188, %dma_wait3A_189, %dma_wait3A_190] : memref<3x16x8x128xf32, #tpu.memory_space<vmem_shared>> -> memref<1x16x8x128xf32, #tpu.memory_space<vmem_shared>>
    %dma_wait3A_192 = tpu.memref_squeeze %dma_wait3A_191 : memref<1x16x8x128xf32, #tpu.memory_space<vmem_shared>> -> memref<16x8x128xf32, #tpu.memory_space<vmem_shared>>
    tpu.wait_dma2 semaphore(%dma_wait3A_178 : memref<!tpu.dma_semaphore, #tpu.memory_space<semaphore_mem>>) src(%dma_wait3A_192 : memref<16x8x128xf32, #tpu.memory_space<vmem_shared>>) dst(%dma_wait3A_181 : memref<16x8x128xf32, #tpu.memory_space<hbm>>)
    %dma_wait3A_193 = arith.constant 1 : i32
    %dma_wait3A_194 = arith.constant 1 : i32
    %dma_wait3A_195 = arith.constant 0 : i32
    %dma_wait3A_196 = arith.constant 0 : i32
    %dma_wait3A_197 = arith.constant 0 : i32
    %dma_wait3A_198 = tpu.memref_slice %arg6[%dma_wait3A_193, %dma_wait3A_195, %dma_wait3A_196, %dma_wait3A_197] : memref<3x16x8x128xf32, #tpu.memory_space<vmem>> -> memref<1x16x8x128xf32, #tpu.memory_space<vmem>>
    %dma_wait3A_199 = tpu.memref_squeeze %dma_wait3A_198 : memref<1x16x8x128xf32, #tpu.memory_space<vmem>> -> memref<16x8x128xf32, #tpu.memory_space<vmem>>
    %dma_wait3A_200 = arith.constant 0 : i32
    %dma_wait3A_201 = arith.constant 0 : i32
    %dma_wait3A_202 = tpu.memref_slice %arg4[%add3A_42, %dma_wait3A_200, %dma_wait3A_201] : memref<16384x8x128xf32, #tpu.memory_space<hbm>> -> memref<16x8x128xf32, #tpu.memory_space<hbm>>
    %dma_wait3A_203 = tpu.memref_slice %arg11[%dma_wait3A_194] : memref<3x!tpu.dma_semaphore, #tpu.memory_space<semaphore_mem>> -> memref<1x!tpu.dma_semaphore, #tpu.memory_space<semaphore_mem>>
    %dma_wait3A_204 = tpu.memref_squeeze %dma_wait3A_203 : memref<1x!tpu.dma_semaphore, #tpu.memory_space<semaphore_mem>> -> memref<!tpu.dma_semaphore, #tpu.memory_space<semaphore_mem>>
    %dma_wait3A_205 = arith.constant 0 : i32
    %dma_wait3A_206 = arith.constant 0 : i32
    %dma_wait3A_207 = tpu.memref_slice %arg4[%add3A_42, %dma_wait3A_205, %dma_wait3A_206] : memref<16384x8x128xf32, #tpu.memory_space<hbm>> -> memref<16x8x128xf32, #tpu.memory_space<hbm>>
    %dma_wait3A_208 = arith.constant 0 : i32
    %dma_wait3A_209 = arith.constant 0 : i32
    %dma_wait3A_210 = arith.constant 0 : i32
    %dma_wait3A_211 = tpu.memref_slice %arg6[%dma_wait3A_193, %dma_wait3A_208, %dma_wait3A_209, %dma_wait3A_210] : memref<3x16x8x128xf32, #tpu.memory_space<vmem>> -> memref<1x16x8x128xf32, #tpu.memory_space<vmem>>
    %dma_wait3A_212 = tpu.memref_squeeze %dma_wait3A_211 : memref<1x16x8x128xf32, #tpu.memory_space<vmem>> -> memref<16x8x128xf32, #tpu.memory_space<vmem>>
    tpu.wait_dma2 semaphore(%dma_wait3A_204 : memref<!tpu.dma_semaphore, #tpu.memory_space<semaphore_mem>>) src(%dma_wait3A_212 : memref<16x8x128xf32, #tpu.memory_space<vmem>>) dst(%dma_wait3A_207 : memref<16x8x128xf32, #tpu.memory_space<hbm>>)
    %dma_wait3A_213 = arith.constant 2 : i32
    %dma_wait3A_214 = arith.constant 2 : i32
    %dma_wait3A_215 = tpu.memref_slice %arg9[%dma_wait3A_214] : memref<3x!tpu.dma_semaphore, #tpu.memory_space<semaphore_mem>> -> memref<1x!tpu.dma_semaphore, #tpu.memory_space<semaphore_mem>>
    %dma_wait3A_216 = tpu.memref_squeeze %dma_wait3A_215 : memref<1x!tpu.dma_semaphore, #tpu.memory_space<semaphore_mem>> -> memref<!tpu.dma_semaphore, #tpu.memory_space<semaphore_mem>>
    %dma_wait3A_217 = arith.constant 0 : i32
    %dma_wait3A_218 = arith.constant 0 : i32
    %dma_wait3A_219 = tpu.memref_slice %arg4[%add3A_42, %dma_wait3A_217, %dma_wait3A_218] : memref<16384x8x128xf32, #tpu.memory_space<hbm>> -> memref<16x8x128xf32, #tpu.memory_space<hbm>>
    %dma_wait3A_220 = arith.constant 0 : i32
    %dma_wait3A_221 = arith.constant 0 : i32
    %dma_wait3A_222 = arith.constant 0 : i32
    %dma_wait3A_223 = arith.constant 0 : i32
    %dma_wait3A_224 = tpu.memref_slice %arg7[%arg1, %dma_wait3A_220, %dma_wait3A_221, %dma_wait3A_222, %dma_wait3A_223] : memref<16x3x16x8x128xf32, #tpu.memory_space<vmem_shared>> -> memref<1x3x16x8x128xf32, #tpu.memory_space<vmem_shared>>
    %dma_wait3A_225 = tpu.memref_squeeze %dma_wait3A_224 : memref<1x3x16x8x128xf32, #tpu.memory_space<vmem_shared>> -> memref<3x16x8x128xf32, #tpu.memory_space<vmem_shared>>
    %dma_wait3A_226 = arith.constant 0 : i32
    %dma_wait3A_227 = arith.constant 0 : i32
    %dma_wait3A_228 = arith.constant 0 : i32
    %dma_wait3A_229 = tpu.memref_slice %dma_wait3A_225[%dma_wait3A_213, %dma_wait3A_226, %dma_wait3A_227, %dma_wait3A_228] : memref<3x16x8x128xf32, #tpu.memory_space<vmem_shared>> -> memref<1x16x8x128xf32, #tpu.memory_space<vmem_shared>>
    %dma_wait3A_230 = tpu.memref_squeeze %dma_wait3A_229 : memref<1x16x8x128xf32, #tpu.memory_space<vmem_shared>> -> memref<16x8x128xf32, #tpu.memory_space<vmem_shared>>
    tpu.wait_dma2 semaphore(%dma_wait3A_216 : memref<!tpu.dma_semaphore, #tpu.memory_space<semaphore_mem>>) src(%dma_wait3A_230 : memref<16x8x128xf32, #tpu.memory_space<vmem_shared>>) dst(%dma_wait3A_219 : memref<16x8x128xf32, #tpu.memory_space<hbm>>)
    %dma_wait3A_231 = arith.constant 2 : i32
    %dma_wait3A_232 = arith.constant 2 : i32
    %dma_wait3A_233 = arith.constant 0 : i32
    %dma_wait3A_234 = arith.constant 0 : i32
    %dma_wait3A_235 = arith.constant 0 : i32
    %dma_wait3A_236 = tpu.memref_slice %arg6[%dma_wait3A_231, %dma_wait3A_233, %dma_wait3A_234, %dma_wait3A_235] : memref<3x16x8x128xf32, #tpu.memory_space<vmem>> -> memref<1x16x8x128xf32, #tpu.memory_space<vmem>>
    %dma_wait3A_237 = tpu.memref_squeeze %dma_wait3A_236 : memref<1x16x8x128xf32, #tpu.memory_space<vmem>> -> memref<16x8x128xf32, #tpu.memory_space<vmem>>
    %dma_wait3A_238 = arith.constant 0 : i32
    %dma_wait3A_239 = arith.constant 0 : i32
    %dma_wait3A_240 = tpu.memref_slice %arg4[%add3A_42, %dma_wait3A_238, %dma_wait3A_239] : memref<16384x8x128xf32, #tpu.memory_space<hbm>> -> memref<16x8x128xf32, #tpu.memory_space<hbm>>
    %dma_wait3A_241 = tpu.memref_slice %arg11[%dma_wait3A_232] : memref<3x!tpu.dma_semaphore, #tpu.memory_space<semaphore_mem>> -> memref<1x!tpu.dma_semaphore, #tpu.memory_space<semaphore_mem>>
    %dma_wait3A_242 = tpu.memref_squeeze %dma_wait3A_241 : memref<1x!tpu.dma_semaphore, #tpu.memory_space<semaphore_mem>> -> memref<!tpu.dma_semaphore, #tpu.memory_space<semaphore_mem>>
    %dma_wait3A_243 = arith.constant 0 : i32
    %dma_wait3A_244 = arith.constant 0 : i32
    %dma_wait3A_245 = tpu.memref_slice %arg4[%add3A_42, %dma_wait3A_243, %dma_wait3A_244] : memref<16384x8x128xf32, #tpu.memory_space<hbm>> -> memref<16x8x128xf32, #tpu.memory_space<hbm>>
    %dma_wait3A_246 = arith.constant 0 : i32
    %dma_wait3A_247 = arith.constant 0 : i32
    %dma_wait3A_248 = arith.constant 0 : i32
    %dma_wait3A_249 = tpu.memref_slice %arg6[%dma_wait3A_231, %dma_wait3A_246, %dma_wait3A_247, %dma_wait3A_248] : memref<3x16x8x128xf32, #tpu.memory_space<vmem>> -> memref<1x16x8x128xf32, #tpu.memory_space<vmem>>
    %dma_wait3A_250 = tpu.memref_squeeze %dma_wait3A_249 : memref<1x16x8x128xf32, #tpu.memory_space<vmem>> -> memref<16x8x128xf32, #tpu.memory_space<vmem>>
    tpu.wait_dma2 semaphore(%dma_wait3A_242 : memref<!tpu.dma_semaphore, #tpu.memory_space<semaphore_mem>>) src(%dma_wait3A_250 : memref<16x8x128xf32, #tpu.memory_space<vmem>>) dst(%dma_wait3A_245 : memref<16x8x128xf32, #tpu.memory_space<hbm>>)
    return
  }
}

</mosaic_0001>

<sc_bundles>
// kernel: kernel.3.cloned.1.call-start
scs
__scs_entry_jumppad:
0x0: {  	(pc) =	sbr.rel $0x88, $3  }
0x1: {  	(tag) =	ssettag $0x0;
	lr =	simm.s32 $0x1  }
0x2: {  	[smem:$0x3F9F] =	sst lr;
	_ =	strace $0xD0000000  }
0x3: {  	_ = 	snop  }
0x4: {  	_ = 	snop  }
0x5: {  	_ = 	snop  }
0x6: {  	_ = 	snop  }
0x7: {  	_ = 	snop  }
__scs_overlays_trampoline_lowered:
0x8: {  	[smem:$0x3FAE] =	sst s0  }
0x9: {  	[smem:$0x3FAF] =	sst s1  }
0xa: {  	[smem:$0x3FB0] =	sst s2  }
0xb: {  	[smem:$0x3FB1] =	sst s3  }
0xc: {  	[smem:$0x3FB2] =	sst s4  }
0xd: {  	[smem:$0x3FB3] =	sst s5  }
0xe: {  	[smem:$0x3FB4] =	sst s6  }
0xf: {  	[smem:$0x3FB5] =	sst s7  }
0x10: {  	[smem:$0x3FB6] =	sst s8  }
0x11: {  	[smem:$0x3FB7] =	sst s9;
	s0 =	simm.s32 @!p0 $0x0  }
0x12: {  	s1 =	sld [smem:$0x3F9D];
	s0 =	simm.s32 @p0 $0x1  }
0x13: {  	[smem:$0x3FB8] =	sst s0;
	s0 =	simm.s32 @!p1 $0x0  }
0x14: {  	s2 =	sld [smem:$0x3F9C];
	s0 =	simm.s32 @p1 $0x1  }
0x15: {  	[smem:$0x3FB9] =	sst s0;
	s0 =	simm.s32 @!p2 $0x0  }
0x16: {  	s3 =	sld [smem:$0x3FDB];
	s0 =	simm.s32 @p2 $0x1  }
0x17: {  	s4 =	simm.s32 $0x1BF5;
	[smem:$0x3FBB] =	sst s0  }
0x18: {  	s0 =	sld [smem:$0x3F9E];
	_ =	swait.ge [sflag:s4], $0x0  }
0x19: {  	s7 =	sld [smem:$0x3F9F]  }
0x1a: {  	s8 =	sadd.s32 $0xFFFFE003, lr  }
0x1b: {  	s9 =	sadd.s32 $0xFFFFFEF7, lr;
	s5 =	simm.s32 $0xFFFFFFFF;
	p2 =	slt.u32 s8, $0xFFFFF086  }
0x1c: {  	p1 =	slt.u32 s9, $0xF7A;
	s5 =	simm.s32 @!p2 $0x0  }
0x1d: {  	s5 =	simm.s32 @p1 $0x1;
	p0 =	seq.s32 s7, s2  }
0x1e: {  	s7 =	smul.u32 @!p0 $0xF7A, s2;
	p2 =	seq.s32 @!p0 s5, $0x0  }
0x1f: {  	s9 =	smul.u32 $0xF7A, s1;
	s8 =	simm.s32 @!p0 $0x1BF5;
	p2 =	por !p2, p0  }
0x20: {  	[sflag:s8] =	ssyncset.s32 @!p0 $0xFFFFF086;
	s6 =	sadd.s32 @!p0 s3, s7;
	s7 =	simm.s32 @!p0 $0x108  }
0x21: {  	s3 =	sadd.s32 s3, s9;
	s6 =	sadd.s32 @!p0 $0x88, s6;
	s7 =	simm.s32 @p2 $0x1082  }
0x22: {  	[simem:s7], [sflag:s8] =	dma.local @!p0 [hbm:s6], $0xF7A  }
0x23: {  	s9 =	sor.u32 $0xD0000000, s2;
	s6 =	simm.s32 $0x108;
	_ =	swait.ge @!p0 [sflag:s8], $0x0  }
0x24: {  	s3 =	sadd.s32 $0x88, s3;
	s6 =	simm.s32 @!p1 $0x1082;
	[sflag:s4] =	ssyncset.s32 $0xFFFFF086  }
0x25: {  	[simem:s6], [sflag:s4] =	dma.local [hbm:s3], $0xF7A  }
0x26: {  	[smem:$0x3F9F] =	sst s1;
	(tag) =	ssettag s2;
	_ =	strace s9  }
0x27: {  	s1 =	sld [smem:$0x3FAF]  }
0x28: {  	s2 =	sld [smem:$0x3FB0]  }
0x29: {  	s4 =	sld [smem:$0x3FB2]  }
0x2a: {  	p0 =	seq.s32 s5, $0x0;
	s5 =	sld [smem:$0x3FB3]  }
0x2b: {  	s6 =	sld [smem:$0x3FB4]  }
0x2c: {  	s7 =	sld [smem:$0x3FB5]  }
0x2d: {  	s3 =	simm.s32 $0x108;
	s8 =	sld [smem:$0x3FB6]  }
0x2e: {  	s3 =	simm.s32 @!p0 $0x1082;
	s9 =	sld [smem:$0x3FB7]  }
0x2f: {  	lr =	sadd.s32 s0, s3;
	s0 =	sld [smem:$0x3FAE]  }
0x30: {  	s3 =	sld [smem:$0x3FB1]  }
0x31: {  	[smem:$0x3FBA] =	sst s10  }
0x32: {  	s10 =	sld [smem:$0x3FB8];
	_ =	sdelay $0x3  }
0x33: {  	p0 =	seq.s32 s10, $0x1;
	s10 =	sld [smem:$0x3FBA];
	_ =	sdelay $0x3  }
0x34: {  	[smem:$0x3FBA] =	sst s10  }
0x35: {  	s10 =	sld [smem:$0x3FB9];
	_ =	sdelay $0x3  }
0x36: {  	p1 =	seq.s32 s10, $0x1;
	s10 =	sld [smem:$0x3FBA];
	_ =	sdelay $0x3  }
0x37: {  	[smem:$0x3FBA] =	sst s10  }
0x38: {  	s10 =	sld [smem:$0x3FBB]  }
0x39: {  	_ = 	snop;
	(pc) =	sbr.ind lr, $3  }
0x3a: {  	_ = 	snop  }
0x3b: {  	_ = 	snop  }
0x3c: {  	p2 =	seq.s32 s10, $0x1;
	s10 =	sld [smem:$0x3FBA]  }
0x3d: {  	_ =	shalt  }
0x3e: {  	_ =	shalt  }
0x3f: {  	_ =	shalt  }
0x40: {  	_ =	shalt  }
0x41: {  	_ =	shalt  }
0x42: {  	_ =	shalt  }
0x43: {  	_ =	shalt  }
0x44: {  	_ =	shalt  }
0x45: {  	_ =	shalt  }
0x46: {  	_ =	shalt  }
0x47: {  	_ =	shalt  }
0x48: {  	_ =	shalt  }
0x49: {  	_ =	shalt  }
0x4a: {  	_ =	shalt  }
0x4b: {  	_ =	shalt  }
0x4c: {  	_ =	shalt  }
0x4d: {  	_ =	shalt  }
0x4e: {  	_ =	shalt  }
0x4f: {  	_ =	shalt  }
0x50: {  	_ =	shalt  }
0x51: {  	_ =	shalt  }
0x52: {  	_ =	shalt  }
0x53: {  	_ =	shalt  }
0x54: {  	_ =	shalt  }
0x55: {  	_ =	shalt  }
0x56: {  	_ =	shalt  }
0x57: {  	_ =	shalt  }
0x58: {  	_ =	shalt  }
0x59: {  	_ =	shalt  }
0x5a: {  	_ =	shalt  }
0x5b: {  	_ =	shalt  }
0x5c: {  	_ =	shalt  }
0x5d: {  	_ =	shalt  }
0x5e: {  	_ =	shalt  }
0x5f: {  	_ =	shalt  }
0x60: {  	_ =	shalt  }
0x61: {  	_ =	shalt  }
0x62: {  	_ =	shalt  }
0x63: {  	_ =	shalt  }
0x64: {  	_ =	shalt  }
0x65: {  	_ =	shalt  }
0x66: {  	_ =	shalt  }
0x67: {  	_ =	shalt  }
0x68: {  	_ =	shalt  }
0x69: {  	_ =	shalt  }
0x6a: {  	_ =	shalt  }
0x6b: {  	_ =	shalt  }
0x6c: {  	_ =	shalt  }
0x6d: {  	_ =	shalt  }
0x6e: {  	_ =	shalt  }
0x6f: {  	_ =	shalt  }
0x70: {  	_ =	shalt  }
0x71: {  	_ =	shalt  }
0x72: {  	_ =	shalt  }
0x73: {  	_ =	shalt  }
0x74: {  	_ =	shalt  }
0x75: {  	_ =	shalt  }
0x76: {  	_ =	shalt  }
0x77: {  	_ =	shalt  }
0x78: {  	_ =	shalt  }
0x79: {  	_ =	shalt  }
0x7a: {  	_ =	shalt  }
0x7b: {  	_ =	shalt  }
0x7c: {  	_ =	shalt  }
0x7d: {  	_ =	shalt  }
0x7e: {  	_ =	shalt  }
0x7f: {  	_ =	shalt  }
0x80: {  	_ =	shalt  }
0x81: {  	_ =	shalt  }
0x82: {  	_ =	shalt  }
0x83: {  	_ =	shalt  }
0x84: {  	_ =	shalt  }
0x85: {  	_ =	shalt  }
0x86: {  	_ =	shalt  }
0x87: {  	_ =	shalt  }
.Lfunc_end0:
.L_simem_size_0:
called_computation_lowered:
.L_overlay_start_0:
0x88: {  	s2 =	sld [smem:$0x3FD9]  }
0x89: {  	s3 =	sld [smem:$0x3FFE];
	_ =	sdelay $0x1  }
0x8a: {  	s1 =	srdreg.scid  }
0x8b: {  	s0 =	sand.u32 $0x1, s1  }
0x8c: {  	s17 =	sshll.u32 s0, $0xA;
	s2 =	sadd.s32 s3, s2  }
0x8d: {  	s2 =	sadd.s32 s2, s17  }
0x8e: {  	[smem:$0x3FC6] =	sst s2  }
0x8f: {  	_ = 	snop  }
0x90: {  	s2 =	sld [smem:$0x3FC9]  }
0x91: {  	s18 =	sld [smem:$0x3FD0];
	(tm) =	ssettm $0x1  }
0x92: {  	s4 =	sld [smem:$0x3FFB];
	_ =	sdelay $0x3  }
0x93: {  	_ =	strace s4  }
0x94: {  	s4 =	sld [smem:$0x3FFC];
	_ =	sdelay $0x3  }
0x95: {  	_ =	strace s4  }
0x96: {  	s4 =	sld [smem:$0x3FFD];
	_ =	sdelay $0x3  }
0x97: {  	_ =	strace s4  }
0x98: {  	_ =	strace $0x8FFFFFFF  }
0x99: {  	s19 =	sld [smem:$0x3FDB];
	_ =	sdelay $0x1  }
0x9a: {  	s5 =	simm.s32 $_scs_section_size  }
0x9b: {  	s6 =	simm.s32 $_size__tile_overlayer_lowered;
	s7 =	simm.s32 $_tile_overlayer_lowered  }
0x9c: {  	s22 =	simm.s32 $0x1BFF;
	s21 =	sshll.u32 s7, $0x1;
	s4 =	sadd.s32 s5, s19  }
0x9d: {  	s8 =	simm.s32 $0x0;
	s20 =	sshll.u32 s6, $0x1;
	s6 =	sadd.s32 s21, s4  }
0x9e: {  	[timem:s8], [sflag:s22] =	dma.local [hbm:s6], s20  }
0x9f: {  	_ =	swait.ge [sflag:s22], s20  }
0xa0: {  	s5 =	ssub.s32 $0x0, s20;
	[sflag:s22] =	ssyncset.done $0x0  }
0xa1: {  	[sflag:s22] =	ssyncadd.s32 s5;
	_ =	sdelay $0x1  }
0xa2: {  	s23 =	simm.s32 $0x1B8B  }
0xa3: {  	_ =	swait.ge [sflag:s23], $0x1  }
0xa4: {  	[sflag:s23] =	ssyncset.done $0x0  }
0xa5: {  	s25 =	simm.s32 $0x1B8E;
	s24 =	sld [smem:$0x3FFE];
	[sflag:s23] =	ssyncadd.s32 $0xFFFFFFFF  }
0xa6: {  	s26 =	simm.s32 $execute0_lowered;
	[smem:$0x3FD2] =	sst s25  }
0xa7: {  	s6 =	sshll.u32 s26, $0x1;
	_ =	strace $0x80000046;
	[dreg:$0x1] =	wrdreg $0xFFFFFFFF  }
0xa8: {  	s28 =	simm.s32 $_size_execute0_lowered;
	s4 =	sadd.s32 s4, s6;
	[dreg:$0x0] =	wrdreg $0x0  }
0xa9: {  	s6 =	sshll.u32 s28, $0x1;
	[dreg:$0x2] =	wrdreg s4  }
0xaa: {  	[dreg:$0x3] =	wrdreg s6  }
0xab: {  	[dreg:$0x4] =	wrdreg $0xC0  }
0xac: {  	_ =	task [dreg:s8], $0x5FFFF  }
0xad: {  	[dreg:$0x1] =	wrdreg $0xFFFFFFFF  }
0xae: {  	[dreg:$0x0] =	wrdreg $0x60  }
0xaf: {  	[dreg:$0x2] =	wrdreg s2  }
0xb0: {  	[dreg:$0x3] =	wrdreg s24  }
0xb1: {  	[dreg:$0x4] =	wrdreg s18  }
0xb2: {  	[dreg:$0x5] =	wrdreg $0xC0800  }
0xb3: {  	[dreg:$0x6] =	wrdreg $0x9  }
0xb4: {  	_ =	task.clear_ibuf [dreg:s8], $0x7FFFF;
	_ =	strace $0x90000046  }
0xb5: {  	s29 =	simm.s32 $0x9;
	_ =	strace $0x80000048  }
0xb6: {  	_ =	swait.ge [sflag:s29], $0x1  }
0xb7: {  	[sflag:s29] =	ssyncadd.s32 $0xFFFFFFFF  }
0xb8: {  	_ =	strace $0x90000048  }
0xb9: {  	_ =	sfence  }
0xba: {  	s30 =	sld [smem:$0x0];
	_ =	sdelay $0x2  }
0xbb: {  	s31 =	sshll.u32 s1, $0xD;
	s1 =	sshrl.u32 s1, $0x2  }
0xbc: {  	s3 =	sand.u32 $0x4000, s31;
	s1 =	sadd.s32 s1, s30  }
0xbd: {  	s0 =	sor.u32 s3, s0;
	s1 =	sshll.u32 s1, $0x11  }
0xbe: {  	s0 =	sor.u32 s1, s0  }
0xbf: {  	s0 =	sadd.s32 $0x8F2B, s0  }
0xc0: {  	[sflag:s0] =	ssyncadd.remote.s32 $0x1  }
0xc1: {  	_ =	sfence.sel $0xFFFF  }
0xc2: {  	[dreg:$0x0] =	wrdreg $0xFFFFFFFF;
	(pc) =	sbr.abs _section_cstart, $3  }
0xc3: {  	[dreg:$0x1] =	wrdreg $0xFFFFFFFF  }
0xc4: {  	_ =	task.clear_ibuf [dreg:s8], $0x2FFFF;
	_ =	strace $0x9FFFFFFF  }
0xc5: {  	(tm) =	ssettm $0x7FFFFFFF  }
tec
execute0_lowered:
.L_overlay_start_1:
0x0: {  	(tag) =	ssettag $0x1  }
0x1: {  	s1 =	rddreg [dreg:$0x0]  }
0x2: {  	s0 =	rddreg [dreg:$0x1]  }
0x3: {  	s2 =	rddreg [dreg:$0x2]  }
0x4: {  	s5 =	rddreg [dreg:$0x3]  }
0x5: {  	s4 =	simm.s32 $0x0;
	s6 =	srdreg.scid;
	s3 =	stileid.u32  }
0x6: {  	s28 =	simm.s32 $0x6;
	s29 =	simm.s32 $0xC;
	s30 =	simm.s32 $0x0  }
0x7: {  	[smem:$0x7FF] =	sst s4;
	s7 =	sand.u32 $0x1, s6;
	s0 =	sadd.s32 $0x400, s0  }
0x8: {  	s18 =	sadd.s32 $0x800, s1;
	_ =	strace $0x80000047;
	[dreg:$0x6] =	wrdreg s0  }
0x9: {  	s13 =	smul.u32 $0x30000, s3;
	s19 =	sadd.s32 $0x8800, s1;
	[dreg:$0x9] =	wrdreg s18  }
0xa: {  	s8 =	sshll.u32 s3, $0x1;
	s20 =	sadd.s32 $0x8000, s2;
	[dreg:$0xa] =	wrdreg s19  }
0xb: {  	s15 =	sshrl.u32 s3, $0x1;
	s22 =	sand.u32 $0x1, s3;
	[dreg:$0x5] =	wrdreg s20  }
0xc: {  	s14 =	ssub.s32 $0x2, s7;
	s8 =	sand.u32 $0x2, s8;
	[dreg:$0x7] =	wrdreg s15  }
0xd: {  	s21 =	sshll.u32 s15, $0x12;
	s10 =	sshll.u32 s22, $0x11;
	s11 =	sshll.u32 s22, $0x14  }
0xe: {  	s12 =	sshll.u32 s7, $0x13;
	s23 =	sshll.u32 s7, $0x10;
	s25 =	sshll.u32 s22, $0xA  }
0xf: {  	s9 =	sshrl.u32 s14, $0x1;
	s6 =	sshrl.u32 s13, $0x2;
	s8 =	sor.u32 s7, s8  }
0x10: {  	s13 =	sor.u32 s12, s11;
	s7 =	sshll.u32 s7, $0x9;
	s0 =	ssub.s32 s14, s9  }
0x11: {  	s6 =	sadd.s32 s6, s5;
	s16 =	sshll.u32 s8, $0x9;
	s8 =	sor.u32 s10, s21  }
0x12: {  	s24 =	sor.u32 $0x48000, s13;
	s14 =	sshll.u32 s3, $0x6;
	[dreg:$0x8] =	wrdreg s16  }
0x13: {  	s17 =	sadd.s32 $0x4000, s6;
	s0 =	smax.u32 s0, $0x1;
	s12 =	sor.u32 s23, s8  }
0x14: {  	[dreg:$0xc] =	wrdreg s24;
	s16 =	simm.s32 $0xD;
	s26 =	sor.u32 $0x1C01, s14  }
0x15: {  	s31 =	sshrl.u32 s6, $0x3;
	s20 =	sor.u32 $0x1C02, s14;
	[dreg:$0xb] =	wrdreg s0  }
0x16: {  	s23 =	simm.s32 $0x4;
	s24 =	simm.s32 $0xA;
	[dreg:$0xe] =	wrdreg s26  }
0x17: {  	s0 =	sor.u32 s7, s25;
	[dreg:$0xf] =	wrdreg s31;
	s21 =	sshrl.u32 s17, $0x3  }
0x18: {  	s25 =	simm.s32 $0x5;
	s26 =	simm.s32 $0xB;
	[dreg:$0xd] =	wrdreg s0  }
.LBB2_1:
0x19: {  	s0 =	rddreg [dreg:$0x6]  }
0x1a: {  	[tilespmem:s4], [sflag:$0xD] =	stream.linear.gather [hbm4b:s0+s4], $0x80, $0x38;
	[tilespmem:$0x18080] =	vst v63  }
0x1b: {  	_ =	swait.ge [sflag:s16], $0x80  }
0x1c: {  	[sflag:s16] =	ssyncset.done $0x0  }
0x1d: {  	s19 =	rddreg [dreg:$0x7];
	[sflag:s16] =	ssyncadd.s32 $0xFFFFFF80  }
0x1e: {  	v0 =	vld [tilespmem:s19+$0x0];
	_ =	sdelay $0x4  }
0x1f: {  	(v2sf) =	vpush v0, $0x0;
	_ =	sdelay $0xe  }
0x20: {  	s0 =	spop (v2sf)  }
0x21: {  	s7 =	rddreg [dreg:$0x8];
	s5 =	sshll.u32 s0, $0xB  }
0x22: {  	s7 =	sor.u32 s7, s5  }
0x23: {  	s7 =	sshll.u32 s7, $0x7  }
0x24: {  	s10 =	rddreg [dreg:$0xe];
	s8 =	sand.u32 $0x1FFF0000, s7;
	s7 =	sor.u32 $0x8000, s7  }
0x25: {  	s11 =	rddreg [dreg:$0xf];
	s9 =	sadd.s32 s1, s8;
	s7 =	sand.u32 $0x1FFF8000, s7  }
0x26: {  	[spmem:s11], [sflag:s10] =	dma.local [hbm:s9], $0x800  }
0x27: {  	s22 =	simm.s32 $0x80;
	s7 =	sadd.s32 s1, s7  }
0x28: {  	[tilespmem:s22], [sflag:$0x7] =	stream.linear.gather [hbm4b:s7+s4], $0x4000, $0x38;
	[tilespmem:$0x18080] =	vst v63  }
0x29: {  	s10 =	rddreg [dreg:$0x9]  }
0x2a: {  	s7 =	sadd.s32 s8, s10  }
0x2b: {  	[spmem:s21], [sflag:s20] =	dma.local [hbm:s7], $0x800  }
0x2c: {  	s7 =	rddreg [dreg:$0xa]  }
0x2d: {  	s13 =	simm.s32 $0x2;
	s11 =	simm.s32 $0x4080;
	s7 =	sadd.s32 s8, s7  }
0x2e: {  	[tilespmem:s11], [sflag:$0x8] =	stream.linear.gather [hbm4b:s7+s4], $0x4000, $0x38;
	[tilespmem:$0x18080] =	vst v63  }
0x2f: {  	p0 =	por $0x0, $0x0;
	s7 =	smul.u32 $0xAB, s13  }
0x30: {  	p1 =	por @!p0 $0x1, $0x1  }
0x31: {  	s15 =	rddreg [dreg:$0xd];
	s17 =	sadd.s32 $0xFFFFFEAA, s7;
	s7 =	sshrl.u32 s7, $0x9  }
0x32: {  	p1 =	por p1, p0;
	s5 =	sor.u32 s5, s15;
	s7 =	sand.u32 $0x7F, s7  }
0x33: {  	s5 =	sshll.u32 s5, $0x7;
	s8 =	sshrl.u32 s17, $0x9;
	s7 =	smul.u32 $0x3, s7  }
0x34: {  	s9 =	sshll.u32 @!p0 s3, $0x6;
	s5 =	sand.u32 $0x1FFFFF80, s5;
	s8 =	sand.u32 $0x7F, s8  }
0x35: {  	s5 =	sadd.s32 s1, s5;
	s8 =	smul.u32 $0x3, s8;
	s7 =	ssub.s32 $0x2, s7  }
0x36: {  	s10 =	sand.u32 $0x1FFF7800, s12;
	s5 =	sadd.s32 $0x1000, s5;
	s7 =	sand.u32 $0xFF, s7  }
0x37: {  	s8 =	ssub.s32 $0x0, s8;
	s19 =	sadd.s32 @!p1 $0x4, s7;
	s22 =	sshll.u32 @!p0 s7, $0xE  }
0x38: {  	s9 =	sadd.s32 @!p0 s9, s7;
	s11 =	sand.u32 $0xFF, s8;
	_ =	swait.ge @!p1 [sflag:s19], $0x800  }
0x39: {  	s31 =	sadd.s32 @!p0 s22, s6;
	s9 =	sadd.s32 @!p0 $0x1C01, s9;
	[sflag:s19] =	ssyncset.done @!p1 $0x0  }
0x3a: {  	s18 =	sadd.s32 $0x1, s11;
	s8 =	sshrl.u32 @!p0 s31, $0x3;
	[sflag:s19] =	ssyncadd.s32 @!p1 $0xFFFFF800  }
0x3b: {  	[spmem:s8], [sflag:s9] =	dma.local @!p0 [hbm:s5], $0x800  }
0x3c: {  	s15 =	sadd.s32 s2, s10;
	s8 =	sshll.u32 s11, $0xE;
	_ =	swait.ge [sflag:s18], $0x800  }
0x3d: {  	s13 =	sadd.s32 s14, s11;
	s31 =	sadd.s32 s8, s6;
	[sflag:s18] =	ssyncset.done $0x0  }
0x3e: {  	s9 =	sadd.s32 $0x1C04, s13;
	s31 =	sshrl.u32 s31, $0x3;
	[sflag:s18] =	ssyncadd.s32 $0xFFFFF800  }
0x3f: {  	[hbm:s15], [sflag:s9] =	dma.local [spmem:s31], $0x800  }
0x40: {  	s9 =	sadd.s32 @!p1 $0xA, s7  }
0x41: {  	_ =	swait.ge @!p1 [sflag:s9], $0x4000  }
0x42: {  	s0 =	sshll.u32 s0, $0x15;
	s17 =	sadd.s32 $0x7, s11;
	s13 =	rddreg [dreg:$0xc]  }
0x43: {  	s19 =	sor.u32 @!p0 $0x80, s22;
	s22 =	simm.s32 $0x4;
	s31 =	sor.u32 s0, s13  }
0x44: {  	s7 =	sadd.s32 @!p0 $0x7, s7;
	[sflag:s9] =	ssyncset.done @!p1 $0x0;
	s0 =	sshrl.u32 @!p0 s31, $0x3  }
0x45: {  	[sflag:s9] =	ssyncadd.s32 @!p1 $0xFFFFC000;
	s9 =	simm.s32 @!p0 $0x0;
	s0 =	sadd.s32 @!p0 s1, s0  }
0x46: {  	[tilespmem:s19], [sflag:s7] =	stream.linear.gather @!p0 [hbm4b:s0+s9], $0x4000, $0x38;
	[tilespmem:$0x18080] =	vst v63  }
0x47: {  	s31 =	sadd.s32 $0x4000, s31;
	s9 =	simm.s32 $0x3;
	s0 =	sadd.s32 $0x800, s5  }
0x48: {  	s5 =	sadd.s32 $0x80, s8;
	s19 =	sadd.s32 $0x800, s12;
	_ =	swait.ge [sflag:s17], $0x4000  }
0x49: {  	s7 =	sadd.s32 $0xA, s11;
	[sflag:s17] =	ssyncset.done $0x0;
	s18 =	rddreg [dreg:$0x5]  }
0x4a: {  	[sflag:s17] =	ssyncadd.s32 $0xFFFFC000;
	s8 =	sadd.s32 s10, s18;
	s10 =	smul.u32 $0xAB, s9  }
.LBB2_2:
0x4b: {  	[hbm4b:s8+s4] =	stream.linear.scatter [tilespmem:s5], [sflag:s7], $0x4000, $0x38;
	[tilespmem:$0x18080] =	vst v63  }
0x4c: {  	s5 =	smov.u32 s22;
	s22 =	sadd.s32 $0x1, s22  }
0x4d: {  	s17 =	sadd.s32 $0xFFFFFFFE, s9;
	s13 =	sadd.s32 $0xFFFFFEAA, s10;
	s15 =	sshrl.u32 s10, $0x9  }
0x4e: {  	p0 =	sne.s32 s22, $0x12;
	s7 =	sshrl.u32 s13, $0x9;
	s8 =	sand.u32 $0x7F, s15  }
0x4f: {  	p1 =	sgt.u32 s17, $0xD;
	s7 =	sand.u32 $0x7F, s7;
	s11 =	smul.u32 $0x3, s8  }
0x50: {  	p2 =	seq.s32 @!p1 s9, $0x2;
	s8 =	sand.u32 $0x1FFF7800, s19;
	s7 =	smul.u32 $0x3, s7  }
0x51: {  	p2 =	por p2, p1;
	s19 =	sadd.s32 $0x800, s19;
	s11 =	ssub.s32 s9, s11  }
0x52: {  	s9 =	sshll.u32 @!p1 s3, $0x6;
	s7 =	ssub.s32 s17, s7;
	s10 =	sand.u32 $0xFF, s11  }
0x53: {  	s11 =	sadd.s32 @!p2 $0x4, s10;
	s13 =	sshll.u32 @!p1 s10, $0xE;
	s9 =	sadd.s32 @!p1 s9, s10  }
0x54: {  	s7 =	sand.u32 $0xFF, s7;
	_ =	swait.ge @!p2 [sflag:s11], $0x800;
	s15 =	sadd.s32 @!p1 s13, s6  }
0x55: {  	s17 =	sshll.u32 s7, $0xE;
	s9 =	sadd.s32 @!p1 $0x1C01, s9;
	[sflag:s11] =	ssyncset.done @!p2 $0x0  }
0x56: {  	s18 =	sadd.s32 s14, s7;
	s15 =	sshrl.u32 @!p1 s15, $0x3;
	[sflag:s11] =	ssyncadd.s32 @!p2 $0xFFFFF800  }
0x57: {  	[spmem:s15], [sflag:s9] =	dma.local @!p1 [hbm:s0], $0x800  }
0x58: {  	s13 =	sor.u32 @!p1 $0x80, s13;
	s11 =	sadd.s32 $0x1, s7;
	s15 =	sadd.s32 s17, s6  }
0x59: {  	s9 =	sadd.s32 $0x1C04, s18;
	s18 =	sadd.s32 @!p2 $0xA, s10;
	_ =	swait.ge [sflag:s11], $0x800  }
0x5a: {  	s10 =	sadd.s32 @!p1 $0x7, s10;
	s0 =	sadd.s32 $0x800, s0;
	[sflag:s11] =	ssyncset.done $0x0  }
0x5b: {  	s15 =	sshrl.u32 s15, $0x3;
	[sflag:s11] =	ssyncadd.s32 $0xFFFFF800;
	s11 =	sadd.s32 s2, s8  }
0x5c: {  	[hbm:s11], [sflag:s9] =	dma.local [spmem:s15], $0x800  }
0x5d: {  	s9 =	sshrl.u32 @!p1 s31, $0x3;
	s11 =	simm.s32 @!p1 $0x0;
	_ =	swait.ge @!p2 [sflag:s18], $0x4000  }
0x5e: {  	s15 =	sadd.s32 $0x7, s7;
	s31 =	sadd.s32 $0x4000, s31;
	[sflag:s18] =	ssyncset.done @!p2 $0x0  }
.Ltmp0:
0x5f: {  	s9 =	sadd.s32 @!p1 s1, s9;
	[sflag:s18] =	ssyncadd.s32 @!p2 $0xFFFFC000;
	(pc) =	sbr.rel @p0 .LBB2_2-.Ltmp0, $4  }
0x60: {  	[tilespmem:s13], [sflag:s10] =	stream.linear.gather @!p1 [hbm4b:s9+s11], $0x4000, $0x38;
	[tilespmem:$0x18080] =	vst v63  }
0x61: {  	s7 =	sadd.s32 $0xA, s7;
	s9 =	smov.u32 s5;
	_ =	swait.ge [sflag:s15], $0x4000  }
0x62: {  	s5 =	sadd.s32 $0x80, s17;
	[sflag:s15] =	ssyncset.done $0x0;
	s18 =	rddreg [dreg:$0x5]  }
0x63: {  	s10 =	smul.u32 $0xAB, s9;
	[sflag:s15] =	ssyncadd.s32 $0xFFFFC000;
	s8 =	sadd.s32 s8, s18  }
0x64: {  	[hbm4b:s8+s4] =	stream.linear.scatter [tilespmem:s5], [sflag:s7], $0x4000, $0x38;
	[tilespmem:$0x18080] =	vst v63  }
0x65: {  	s13 =	sadd.s32 $0xFFFFFEAA, s10;
	s15 =	sshrl.u32 s10, $0x9  }
0x66: {  	s17 =	sadd.s32 $0xFFFFFFFE, s9;
	s5 =	sshrl.u32 s13, $0x9;
	s7 =	sand.u32 $0x7F, s15  }
0x67: {  	p0 =	sgt.u32 s17, $0xD;
	s5 =	sand.u32 $0x7F, s5;
	s7 =	smul.u32 $0x3, s7  }
0x68: {  	p1 =	seq.s32 @!p0 s9, $0x2;
	s5 =	smul.u32 $0x3, s5  }
0x69: {  	s10 =	sand.u32 $0x1FFF7800, s19;
	p1 =	por p1, p0;
	s7 =	ssub.s32 s9, s7  }
0x6a: {  	s9 =	sshll.u32 @!p0 s3, $0x6;
	s5 =	ssub.s32 s17, s5;
	s7 =	sand.u32 $0xFF, s7  }
0x6b: {  	s17 =	sadd.s32 s2, s10;
	s8 =	sadd.s32 @!p1 $0x4, s7;
	s11 =	sshll.u32 @!p0 s7, $0xE  }
0x6c: {  	s9 =	sadd.s32 @!p0 s9, s7;
	s5 =	sand.u32 $0xFF, s5;
	_ =	swait.ge @!p1 [sflag:s8], $0x800  }
0x6d: {  	s13 =	sadd.s32 @!p0 s11, s6;
	s18 =	sadd.s32 $0x1, s5;
	[sflag:s8] =	ssyncset.done @!p1 $0x0  }
0x6e: {  	s13 =	sshrl.u32 @!p0 s13, $0x3;
	[sflag:s8] =	ssyncadd.s32 @!p1 $0xFFFFF800;
	s8 =	sadd.s32 @!p0 $0x1C01, s9  }
0x6f: {  	[spmem:s13], [sflag:s8] =	dma.local @!p0 [hbm:s0], $0x800  }
0x70: {  	s15 =	sshll.u32 s5, $0xE;
	s19 =	sadd.s32 s14, s5;
	_ =	swait.ge [sflag:s18], $0x800  }
0x71: {  	s22 =	sadd.s32 s15, s6;
	s0 =	sadd.s32 $0x1C04, s19;
	[sflag:s18] =	ssyncset.done $0x0  }
0x72: {  	s13 =	sadd.s32 @!p1 $0xA, s7;
	s8 =	sshrl.u32 s22, $0x3;
	[sflag:s18] =	ssyncadd.s32 $0xFFFFF800  }
0x73: {  	[hbm:s17], [sflag:s0] =	dma.local [spmem:s8], $0x800  }
0x74: {  	s11 =	sor.u32 @!p0 $0x80, s11;
	s7 =	sadd.s32 @!p0 $0x7, s7;
	_ =	swait.ge @!p1 [sflag:s13], $0x4000  }
0x75: {  	s18 =	sadd.s32 $0x7, s5;
	s0 =	sshrl.u32 @!p0 s31, $0x3;
	[sflag:s13] =	ssyncset.done @!p1 $0x0  }
0x76: {  	s8 =	simm.s32 @!p0 $0x0;
	s0 =	sadd.s32 @!p0 s1, s0;
	[sflag:s13] =	ssyncadd.s32 @!p1 $0xFFFFC000  }
0x77: {  	[tilespmem:s11], [sflag:s7] =	stream.linear.gather @!p0 [hbm4b:s0+s8], $0x4000, $0x38;
	[tilespmem:$0x18080] =	vst v63  }
0x78: {  	_ =	swait.ge [sflag:s18], $0x4000  }
0x79: {  	s22 =	sadd.s32 $0x80, s15;
	s19 =	rddreg [dreg:$0x5];
	[sflag:s18] =	ssyncset.done $0x0  }
0x7a: {  	s5 =	sadd.s32 $0xA, s5;
	[sflag:s18] =	ssyncadd.s32 $0xFFFFC000;
	s0 =	sadd.s32 s10, s19  }
0x7b: {  	[hbm4b:s0+s4] =	stream.linear.scatter [tilespmem:s22], [sflag:s5], $0x4000, $0x38;
	[tilespmem:$0x18080] =	vst v63  }
0x7c: {  	_ =	swait.ge [sflag:s23], $0x800  }
0x7d: {  	[sflag:s23] =	ssyncset.done $0x0  }
0x7e: {  	[sflag:s23] =	ssyncadd.s32 $0xFFFFF800  }
0x7f: {  	_ =	swait.ge [sflag:s24], $0x4000  }
0x80: {  	[sflag:s24] =	ssyncset.done $0x0  }
0x81: {  	[sflag:s24] =	ssyncadd.s32 $0xFFFFC000  }
0x82: {  	_ =	swait.ge [sflag:s25], $0x800  }
0x83: {  	[sflag:s25] =	ssyncset.done $0x0  }
0x84: {  	[sflag:s25] =	ssyncadd.s32 $0xFFFFF800  }
0x85: {  	_ =	swait.ge [sflag:s26], $0x4000  }
0x86: {  	[sflag:s26] =	ssyncset.done $0x0  }
0x87: {  	[sflag:s26] =	ssyncadd.s32 $0xFFFFC000  }
0x88: {  	_ =	swait.ge [sflag:s28], $0x800  }
0x89: {  	[sflag:s28] =	ssyncset.done $0x0  }
0x8a: {  	[sflag:s28] =	ssyncadd.s32 $0xFFFFF800  }
0x8b: {  	_ =	swait.ge [sflag:s29], $0x4000  }
0x8c: {  	s30 =	sadd.s32 $0x1, s30;
	s31 =	rddreg [dreg:$0xb]  }
0x8d: {  	p0 =	sne.s32 s30, s31  }
.Ltmp1:
0x8e: {  	_ = 	snop;
	(pc) =	sbr.rel @p0 .LBB2_1-.Ltmp1, $3  }
0x8f: {  	_ =	sdelay $0x1  }
0x90: {  	[sflag:s29] =	ssyncset.done $0x0  }
0x91: {  	[sflag:s29] =	ssyncadd.s32 $0xFFFFC000  }
0x92: {  	_ =	sfence.sel $0x180000  }
0x93: {  	[bflag:$0x0] =	sbarrier.arrive $0xFFFF  }
0x94: {  	_ =	strace $0x90000047  }
0x95: {  	[bflag:$0x2] =	sbarrier.arrive $0xFFFF  }
0x96: {  	p0 =	sne.s32 s3, $0x0;
	s0 =	rddreg [dreg:$0x4]  }
0x97: {  	s0 =	sadd.s32 @!p0 $0x100000, s0  }
0x98: {  	[sflag:s0] =	ssyncadd.tile.s32 @!p0 $0x1;
	_ =	shalt  }
.Lfunc_end2:
_tile_overlayer_lowered:
.L_overlay_start_2:
0x99: {  	(tag) =	ssettag $0x2  }
0x9a: {  	s0 =	rddreg [dreg:$0x0];
	s2 =	stileid.u32  }
0x9b: {  	s1 =	rddreg [dreg:$0x1];
	p0 =	sne.s32 s2, $0x0  }
0x9c: {  	s3 =	rddreg [dreg:$0x2];
	[bflag:$0x3] =	sbarrier.arrive $0xFFFF;
	s2 =	simm.s32 @!p0 $0x1C0D  }
0x9d: {  	[timem:s3], [sflag:s2] =	dma.local @!p0 [hbm:s0], s1  }
0x9e: {  	s0 =	simm.s32 @!p0 $0xD  }
0x9f: {  	_ =	swait.ge @!p0 [sflag:s0], s1  }
0xa0: {  	s1 =	ssub.s32 @!p0 $0x0, s1;
	[sflag:s0] =	ssyncset.done @!p0 $0x0  }
0xa1: {  	[sflag:s0] =	ssyncadd.s32 @!p0 s1  }
0xa2: {  	[bflag:$0x3] =	sbarrier.arrive $0xFFFF  }
0xa3: {  	_ =	shalt  }

</sc_bundles>
